<compile_context>
chip_gen: v7x
topology: tpu7x:2x2x1
jax: 0.10.2.dev20260603
libtpu: 0.0.44.dev20260713+nightly
codegen_flags: <defaults>
</compile_context>

<pallas_src>
import jax
import jax.numpy as jnp
from jax import lax
from jax.experimental import pallas as pl
from jax.experimental.pallas import tpu as pltpu
from jax.experimental.pallas import tpu_sc as plsc

_N = 10000
_E = 160000
_D_IN = 256
_D_OUT = 64
_K = 10
_EPS = 1e-5

_NC = 2
_NS = 16
_L = 16
_NPAD = 10240
_RPT = _NPAD // _NS
_DH = _D_OUT // _NC
_ECH = 125
_CH = 80
_CHUNK = 128

_MMBLK = 2048


def _mm_body(x_ref, w_ref, b_ref, o_ref):
    i = pl.program_id(0)
    acc = lax.dot_general(
        x_ref[...], w_ref[...], (((1,), (1,)), ((), ())),
        preferred_element_type=jnp.float32)
    rowid = i * _MMBLK + lax.broadcasted_iota(jnp.int32, (_MMBLK, _DH), 0)
    o_ref[...] = jnp.where(rowid < _N, acc + b_ref[0], 0.0)[None]


def _nrsqrt(x):
    i = lax.bitcast_convert_type(x, jnp.int32)
    i = jnp.int32(0x5F3759DF) - (i >> 1)
    y = lax.bitcast_convert_type(i, jnp.float32)
    for _ in range(3):
        y = y * (jnp.float32(1.5) - jnp.float32(0.5) * x * y * y)
    return y


def _eb(buf, b):
    return buf.at[b, pl.ds(0, _ECH)]


def _sload(ref, i):
    return ref[pl.ds(i, _L)][0]


_CPB = _RPT // _CHUNK
_ZR = 32
_LAST = _N - (_NS - 1) * _RPT


def _sc_body(h0s, rows_h, cols_h, gb_h, out_h,
             g_s, s_s, deg_s, bn_s,
             rowi, coli, buf, zbuf, ga, g0p, degb, d2b, idb, onesb,
             bnw, bnl, gbl, gsem, ssem):
    cid = lax.axis_index("c")
    sid = lax.axis_index("s")
    r0 = sid * _RPT

    pltpu.sync_copy(rows_h.at[sid], rowi)
    pltpu.sync_copy(cols_h.at[sid], coli)
    pltpu.sync_copy(gb_h.at[cid], gbl)

    zv = jnp.zeros((_L,), jnp.float32)

    def zrow(i, _):
        zbuf[i, pl.ds(0, _L)] = zv
        zbuf[i, pl.ds(_L, _L)] = zv
        return 0
    lax.fori_loop(0, _ZR, zrow, 0)

    def ztmp(t, _):
        degb[pl.ds(t * _L, _L)] = zv
        return 0
    lax.fori_loop(0, _RPT // _L, ztmp, 0)

    def orow(t, _):
        onesb[pl.ds(t * _L, _L)] = jnp.ones((_L,), jnp.float32)
        return 0
    lax.fori_loop(0, 8, orow, 0)

    pltpu.sync_copy(degb.at[pl.ds(0, _RPT)], deg_s.at[pl.ds(r0, _RPT)])

    def zs(c, _):
        pltpu.sync_copy(zbuf, s_s.at[pl.ds(r0 + c * _ZR, _ZR)])
        return 0
    lax.fori_loop(0, _RPT // _ZR, zs, 0)
    plsc.subcore_barrier()

    def degch(j, _):
        pltpu.async_copy(
            onesb.at[pl.ds(0, _ECH)], deg_s.at[coli.at[j]], ssem, add=True)
        return 0
    lax.fori_loop(0, _CH, degch, 0)

    def degdr(j, _):
        pltpu.make_async_copy(
            onesb.at[pl.ds(0, _ECH)], deg_s.at[coli.at[0]], ssem).wait()
        return 0
    lax.fori_loop(0, _CH, degdr, 0)
    plsc.subcore_barrier()

    pltpu.sync_copy(deg_s.at[pl.ds(r0, _RPT)], degb.at[pl.ds(0, _RPT)])

    def disrow(t, _):
        d = degb[pl.ds(t * _L, _L)] + jnp.float32(1.0)
        y = _nrsqrt(d)
        degb[pl.ds(t * _L, _L)] = y
        d2b[pl.ds(t * _L, _L)] = jnp.float32(0.9) / d
        idb[pl.ds(t * _L, _L)] = d * y
        return 0
    lax.fori_loop(0, _RPT // _L, disrow, 0)

    def initch(c, _):
        pltpu.sync_copy(
            h0s.at[cid, pl.ds(r0 + c * _CHUNK, _CHUNK)], buf.at[0])

        def initrow(i, _):
            r = c * _CHUNK + i
            dis = _sload(degb, r)
            v0 = buf[0, i, pl.ds(0, _L)] * dis
            v1 = buf[0, i, pl.ds(_L, _L)] * dis
            ga[r, pl.ds(0, _L)] = v0
            ga[r, pl.ds(_L, _L)] = v1
            g0p[r, pl.ds(0, _L)] = v0 * jnp.float32(0.1)
            g0p[r, pl.ds(_L, _L)] = v1 * jnp.float32(0.1)
            return 0
        lax.fori_loop(0, _CHUNK, initrow, 0)
        return 0
    lax.fori_loop(0, _CPB, initch, 0)
    pltpu.sync_copy(ga, g_s.at[pl.ds(r0, _RPT)])
    plsc.subcore_barrier()

    def wait_g():
        pltpu.make_async_copy(
            g_s.at[rowi.at[0]], _eb(buf, 0), gsem).wait()

    def wait_s():
        pltpu.make_async_copy(
            _eb(buf, 0), s_s.at[coli.at[0]], ssem).wait()

    def kstep(k, _):
        pltpu.async_copy(g_s.at[rowi.at[0]], _eb(buf, 0), gsem)
        pltpu.async_copy(g_s.at[rowi.at[1]], _eb(buf, 1), gsem)
        pltpu.async_copy(g_s.at[rowi.at[2]], _eb(buf, 2), gsem)
        wait_g()
        pltpu.async_copy(_eb(buf, 0), s_s.at[coli.at[0]], ssem, add=True)
        pltpu.async_copy(g_s.at[rowi.at[3]], _eb(buf, 3), gsem)

        def ech(j, _):
            wait_g()
            pltpu.async_copy(
                _eb(buf, j % 4), s_s.at[coli.at[j]], ssem, add=True)
            wait_s()
            pltpu.async_copy(
                g_s.at[rowi.at[j + 3]], _eb(buf, (j + 3) % 4), gsem)
            return 0
        lax.fori_loop(1, _CH - 3, ech, 0)

        def etail(j, _):
            wait_g()
            pltpu.async_copy(
                _eb(buf, j % 4), s_s.at[coli.at[j]], ssem, add=True)
            wait_s()
            return 0
        lax.fori_loop(_CH - 3, _CH, etail, 0)
        wait_s()
        plsc.subcore_barrier()

        pltpu.async_copy(s_s.at[pl.ds(r0, _CHUNK)], buf.at[0], gsem)

        def dchunk(c, _):
            base = c * _CHUNK
            pltpu.make_async_copy(
                s_s.at[pl.ds(r0, _CHUNK)], buf.at[0], gsem).wait()

            @pl.when(c + 1 < _CPB)
            def _():
                pltpu.async_copy(
                    s_s.at[pl.ds(r0 + base + _CHUNK, _CHUNK)],
                    buf.at[(c + 1) % 4], gsem)
            pltpu.async_copy(zbuf, s_s.at[pl.ds(r0 + base, _ZR)], ssem)
            pltpu.async_copy(
                zbuf, s_s.at[pl.ds(r0 + base + _ZR, _ZR)], ssem)
            pltpu.async_copy(
                zbuf, s_s.at[pl.ds(r0 + base + 2 * _ZR, _ZR)], ssem)
            pltpu.async_copy(
                zbuf, s_s.at[pl.ds(r0 + base + 3 * _ZR, _ZR)], ssem)

            def drow(i, _):
                r = base + i
                d2 = _sload(d2b, r)
                v0 = (buf[c % 4, i, pl.ds(0, _L)] + ga[r, pl.ds(0, _L)]) \
                    * d2 + g0p[r, pl.ds(0, _L)]
                v1 = (buf[c % 4, i, pl.ds(_L, _L)] + ga[r, pl.ds(_L, _L)]) \
                    * d2 + g0p[r, pl.ds(_L, _L)]
                ga[r, pl.ds(0, _L)] = v0
                ga[r, pl.ds(_L, _L)] = v1
                return 0
            lax.fori_loop(0, _CHUNK, drow, 0)
            pltpu.async_copy(
                ga.at[pl.ds(base, _CHUNK)],
                g_s.at[pl.ds(r0 + base, _CHUNK)], ssem)
            return 0
        lax.fori_loop(0, _CPB, dchunk, 0)

        def ddr(c, _):
            pltpu.make_async_copy(zbuf, s_s.at[pl.ds(r0, _ZR)], ssem).wait()
            pltpu.make_async_copy(zbuf, s_s.at[pl.ds(r0, _ZR)], ssem).wait()
            pltpu.make_async_copy(zbuf, s_s.at[pl.ds(r0, _ZR)], ssem).wait()
            pltpu.make_async_copy(zbuf, s_s.at[pl.ds(r0, _ZR)], ssem).wait()
            pltpu.make_async_copy(
                ga.at[pl.ds(0, _CHUNK)],
                g_s.at[pl.ds(r0, _CHUNK)], ssem).wait()
            return 0
        lax.fori_loop(0, _CPB, ddr, 0)
        plsc.subcore_barrier()
        return 0
    lax.fori_loop(0, _K, kstep, 0)

    def bnrow(i, carry):
        s0, s1, q0, q1 = carry
        inv = _sload(idb, i)
        h0v = ga[i, pl.ds(0, _L)] * inv
        h1v = ga[i, pl.ds(_L, _L)] * inv
        return (s0 + h0v, s1 + h1v, q0 + h0v * h0v, q1 + h1v * h1v)
    s0, s1, q0, q1 = lax.fori_loop(0, _RPT, bnrow, (zv, zv, zv, zv))
    bnw[pl.ds(0, _L)] = s0
    bnw[pl.ds(_L, _L)] = s1
    bnw[pl.ds(2 * _L, _L)] = q0
    bnw[pl.ds(3 * _L, _L)] = q1
    pltpu.sync_copy(bnw, bn_s.at[sid])
    plsc.subcore_barrier()
    pltpu.sync_copy(bn_s, bnl)

    def red(t, carry):
        s0, s1, q0, q1 = carry
        return (s0 + bnl[t, pl.ds(0, _L)],
                s1 + bnl[t, pl.ds(_L, _L)],
                q0 + bnl[t, pl.ds(2 * _L, _L)],
                q1 + bnl[t, pl.ds(3 * _L, _L)])
    s0, s1, q0, q1 = lax.fori_loop(0, _NS, red, (zv, zv, zv, zv))
    ninv = jnp.float32(1.0 / _N)
    m0 = s0 * ninv
    m1 = s1 * ninv
    v0 = q0 * ninv - m0 * m0
    v1 = q1 * ninv - m1 * m1
    sc0 = gbl[0, pl.ds(0, _L)] * _nrsqrt(v0 + jnp.float32(_EPS))
    sc1 = gbl[0, pl.ds(_L, _L)] * _nrsqrt(v1 + jnp.float32(_EPS))
    sh0 = gbl[1, pl.ds(0, _L)] - sc0 * m0
    sh1 = gbl[1, pl.ds(_L, _L)] - sc1 * m1

    def arow(i, _):
        inv = _sload(idb, i)
        ga[i, pl.ds(0, _L)] = (ga[i, pl.ds(0, _L)] * inv) * sc0 + sh0
        ga[i, pl.ds(_L, _L)] = (ga[i, pl.ds(_L, _L)] * inv) * sc1 + sh1
        return 0
    lax.fori_loop(0, _RPT, arow, 0)
    c0 = cid * _DH

    @pl.when(sid < _NS - 1)
    def _():
        pltpu.sync_copy(
            ga.at[pl.ds(0, _RPT)],
            out_h.at[pl.ds(r0, _RPT), pl.ds(c0, _DH)])

    @pl.when(sid == _NS - 1)
    def _():
        pltpu.sync_copy(
            ga.at[pl.ds(0, _LAST)],
            out_h.at[pl.ds(r0, _LAST), pl.ds(c0, _DH)])


def kernel(x, edge_index, W, b, gamma, beta):
    f32 = jnp.float32
    b2 = b.reshape(_NC, 1, _DH)

    h0s = pl.pallas_call(
        _mm_body,
        grid=(_NPAD // _MMBLK, _NC),
        in_specs=[
            pl.BlockSpec((_MMBLK, _D_IN), lambda i, c: (i, 0)),
            pl.BlockSpec((_DH, _D_IN), lambda i, c: (c, 0)),
            pl.BlockSpec((1, 1, _DH), lambda i, c: (c, 0, 0)),
        ],
        out_specs=pl.BlockSpec((1, _MMBLK, _DH), lambda i, c: (c, i, 0)),
        out_shape=jax.ShapeDtypeStruct((_NC, _NPAD, _DH), f32),
    )(x, W, b2)

    rows_p = edge_index[0].reshape(_NS, _CH, _ECH)
    cols_p = edge_index[1].reshape(_NS, _CH, _ECH)
    gb = jnp.stack([gamma.reshape(_NC, _DH), beta.reshape(_NC, _DH)], axis=1)

    mesh = plsc.VectorSubcoreMesh(core_axis_name="c", subcore_axis_name="s")
    out = pl.kernel(
        _sc_body,
        out_type=jax.ShapeDtypeStruct((_N, _D_OUT), f32),
        mesh=mesh,
        compiler_params=pltpu.CompilerParams(use_tc_tiling_on_sc=False),
        scratch_types=[
            pltpu.VMEM_SHARED((_NPAD, _DH), f32),
            pltpu.VMEM_SHARED((_NPAD, _DH), f32),
            pltpu.VMEM_SHARED((_NPAD,), f32),
            pltpu.VMEM_SHARED((_NS, 4 * _L), f32),
            pltpu.VMEM((_CH, _ECH), jnp.int32),
            pltpu.VMEM((_CH, _ECH), jnp.int32),
            pltpu.VMEM((4, _CHUNK, _DH), f32),
            pltpu.VMEM((_ZR, _DH), f32),
            pltpu.VMEM((_RPT, _DH), f32),
            pltpu.VMEM((_RPT, _DH), f32),
            pltpu.VMEM((_RPT + _L,), f32),
            pltpu.VMEM((_RPT + _L,), f32),
            pltpu.VMEM((_RPT + _L,), f32),
            pltpu.VMEM((_CHUNK,), f32),
            pltpu.VMEM((4 * _L,), f32),
            pltpu.VMEM((_NS, 4 * _L), f32),
            pltpu.VMEM((2, _DH), f32),
            pltpu.SemaphoreType.DMA,
            pltpu.SemaphoreType.DMA,
        ],
    )(h0s, rows_p, cols_p, gb)

    return out

# --- scband reference (transcript-rebuilt; emitter-appended) ---
"""Pipeline reference for scband-appnp1-simp-bn-55121610277362 (READ-ONLY COPY).

The authoritative reference and input builder live on the scoring server;
editing this copy changes nothing except your own understanding.
"""

import jax, jax.numpy as jnp
import numpy as np

N = 10000
E = 160000
D_IN = 256
D_OUT = 64
K = 10
ALPHA = 0.1
EPS = 1e-5


def setup_inputs(seed: int = 0) -> dict:
    key = jax.random.key(seed)
    k1, k2, k3 = jax.random.split(key, 3)
    x = jax.random.normal(k1, (N, D_IN), dtype=jnp.float32)
    edge_index = jax.random.randint(k2, (2, E), 0, N, dtype=jnp.int32)
    W = jax.random.normal(k3, (D_OUT, D_IN), dtype=jnp.float32) * 0.05
    b = jnp.zeros((D_OUT,), dtype=jnp.float32)
    gamma = jnp.ones((D_OUT,), dtype=jnp.float32)
    beta = jnp.zeros((D_OUT,), dtype=jnp.float32)
    return {"x": x, "edge_index": edge_index, "W": W, "b": b, "gamma": gamma, "beta": beta}


def reference(x, edge_index, W, b, gamma, beta):
    # Linear layer: line1
    h = x @ W.T + b
    # GCN normalization with self-loops (PyG APPNP default)
    loop = jnp.arange(N, dtype=edge_index.dtype)
    row = jnp.concatenate([edge_index[0], loop])
    col = jnp.concatenate([edge_index[1], loop])
    w = jnp.ones(row.shape[0], dtype=jnp.float32)
    deg = jax.ops.segment_sum(w, col, num_segments=N)
    dis = jnp.where(deg > 0, jax.lax.rsqrt(jnp.maximum(deg, 1e-12)), 0.0)
    norm = dis[row] * dis[col]
    # APPNP propagation: h <- (1-alpha) * A_hat h + alpha * h0, K iterations
    h0 = h
    for _ in range(K):
        msg = norm[:, None] * h[row]
        h = jax.ops.segment_sum(msg, col, num_segments=N)
        h = (1.0 - ALPHA) * h + ALPHA * h0
    # BatchNorm1d (training mode: batch statistics, biased variance)
    mean = jnp.mean(h, axis=0)
    var = jnp.mean((h - mean) ** 2, axis=0)
    out = gamma * (h - mean) * jax.lax.rsqrt(var + EPS) + beta
    return out

if __name__ == "__main__":
    import jax
    _d = setup_inputs()
    print(jax.jit(kernel)(*tuple(_d.values())))

</pallas_src>

<mosaic_0001>
#map = affine_map<(d0, d1) -> (0, 0, 0)>
#map1 = affine_map<(d0, d1) -> (0, 0)>
module attributes {stable_mosaic.version = 14 : i64} {
  func.func @_sc_body(%arg0: i32, %arg1: i32, %arg2: memref<2x10240x32xf32, #tpu.memory_space<hbm>>, %arg3: memref<16x80x125xi32, #tpu.memory_space<hbm>>, %arg4: memref<16x80x125xi32, #tpu.memory_space<hbm>>, %arg5: memref<2x2x32xf32, #tpu.memory_space<hbm>>, %arg6: memref<10000x64xf32, #tpu.memory_space<hbm>>, %arg7: memref<10240x32xf32, #tpu.memory_space<vmem_shared>>, %arg8: memref<10240x32xf32, #tpu.memory_space<vmem_shared>>, %arg9: memref<10240xf32, #tpu.memory_space<vmem_shared>>, %arg10: memref<16x64xf32, #tpu.memory_space<vmem_shared>>, %arg11: memref<80x125xi32, #tpu.memory_space<vmem>>, %arg12: memref<80x125xi32, #tpu.memory_space<vmem>>, %arg13: memref<4x128x32xf32, #tpu.memory_space<vmem>>, %arg14: memref<32x32xf32, #tpu.memory_space<vmem>>, %arg15: memref<640x32xf32, #tpu.memory_space<vmem>>, %arg16: memref<640x32xf32, #tpu.memory_space<vmem>>, %arg17: memref<656xf32, #tpu.memory_space<vmem>>, %arg18: memref<656xf32, #tpu.memory_space<vmem>>, %arg19: memref<656xf32, #tpu.memory_space<vmem>>, %arg20: memref<128xf32, #tpu.memory_space<vmem>>, %arg21: memref<64xf32, #tpu.memory_space<vmem>>, %arg22: memref<16x64xf32, #tpu.memory_space<vmem>>, %arg23: memref<2x32xf32, #tpu.memory_space<vmem>>, %arg24: memref<!tpu.dma_semaphore, #tpu.memory_space<semaphore_mem>>, %arg25: memref<!tpu.dma_semaphore, #tpu.memory_space<semaphore_mem>>) attributes {dimension_semantics = [#tpu.dimension_semantics<core_parallel>, #tpu.dimension_semantics<subcore_parallel>], iteration_bounds = array<i64: 2, 16>, scalar_prefetch = 0 : i64, scratch_operands = 19 : i64, tpu.core_type = #tpu.core_type<sc_vector_subcore>, window_params = [{transform_indices = #map}, {transform_indices = #map}, {transform_indices = #map}, {transform_indices = #map}, {transform_indices = #map1}]} {
    %mul3A = arith.constant 640 : i32
    %mul3A_0 = arith.muli %arg1, %mul3A : i32
    "tpu.region"() ({
      %run_scoped3A = tpu.sem_alloc : memref<!tpu.dma_semaphore, #tpu.memory_space<semaphore_mem>>
      %dma_start3A = arith.constant 0 : i32
      %dma_start3A_222 = arith.constant 0 : i32
      %dma_start3A_223 = tpu.memref_slice %arg3[%arg1, %dma_start3A, %dma_start3A_222] : memref<16x80x125xi32, #tpu.memory_space<hbm>> -> memref<1x80x125xi32, #tpu.memory_space<hbm>>
      %dma_start3A_224 = tpu.memref_squeeze %dma_start3A_223 : memref<1x80x125xi32, #tpu.memory_space<hbm>> -> memref<80x125xi32, #tpu.memory_space<hbm>>
      %dma_start3A_225 = arith.constant 0 : i32
      %dma_start3A_226 = arith.constant 0 : i32
      %dma_start3A_227 = tpu.memref_slice %arg3[%arg1, %dma_start3A_225, %dma_start3A_226] : memref<16x80x125xi32, #tpu.memory_space<hbm>> -> memref<1x80x125xi32, #tpu.memory_space<hbm>>
      %dma_start3A_228 = tpu.memref_squeeze %dma_start3A_227 : memref<1x80x125xi32, #tpu.memory_space<hbm>> -> memref<80x125xi32, #tpu.memory_space<hbm>>
      tpu.enqueue_dma source(%dma_start3A_228 : memref<80x125xi32, #tpu.memory_space<hbm>>) target(%arg11 : memref<80x125xi32, #tpu.memory_space<vmem>>) target_semaphore(%run_scoped3A : memref<!tpu.dma_semaphore, #tpu.memory_space<semaphore_mem>>)
      %dma_wait3A = arith.constant 0 : i32
      %dma_wait3A_229 = arith.constant 0 : i32
      %dma_wait3A_230 = tpu.memref_slice %arg3[%arg1, %dma_wait3A, %dma_wait3A_229] : memref<16x80x125xi32, #tpu.memory_space<hbm>> -> memref<1x80x125xi32, #tpu.memory_space<hbm>>
      %dma_wait3A_231 = tpu.memref_squeeze %dma_wait3A_230 : memref<1x80x125xi32, #tpu.memory_space<hbm>> -> memref<80x125xi32, #tpu.memory_space<hbm>>
      %dma_wait3A_232 = arith.constant 0 : i32
      %dma_wait3A_233 = arith.constant 0 : i32
      %dma_wait3A_234 = tpu.memref_slice %arg3[%arg1, %dma_wait3A_232, %dma_wait3A_233] : memref<16x80x125xi32, #tpu.memory_space<hbm>> -> memref<1x80x125xi32, #tpu.memory_space<hbm>>
      %dma_wait3A_235 = tpu.memref_squeeze %dma_wait3A_234 : memref<1x80x125xi32, #tpu.memory_space<hbm>> -> memref<80x125xi32, #tpu.memory_space<hbm>>
      tpu.wait_dma2 semaphore(%run_scoped3A : memref<!tpu.dma_semaphore, #tpu.memory_space<semaphore_mem>>) src(%dma_wait3A_235 : memref<80x125xi32, #tpu.memory_space<hbm>>) dst(%arg11 : memref<80x125xi32, #tpu.memory_space<vmem>>)
      tpu.yield
    }) : () -> ()
    "tpu.region"() ({
      %run_scoped3A = tpu.sem_alloc : memref<!tpu.dma_semaphore, #tpu.memory_space<semaphore_mem>>
      %dma_start3A = arith.constant 0 : i32
      %dma_start3A_222 = arith.constant 0 : i32
      %dma_start3A_223 = tpu.memref_slice %arg4[%arg1, %dma_start3A, %dma_start3A_222] : memref<16x80x125xi32, #tpu.memory_space<hbm>> -> memref<1x80x125xi32, #tpu.memory_space<hbm>>
      %dma_start3A_224 = tpu.memref_squeeze %dma_start3A_223 : memref<1x80x125xi32, #tpu.memory_space<hbm>> -> memref<80x125xi32, #tpu.memory_space<hbm>>
      %dma_start3A_225 = arith.constant 0 : i32
      %dma_start3A_226 = arith.constant 0 : i32
      %dma_start3A_227 = tpu.memref_slice %arg4[%arg1, %dma_start3A_225, %dma_start3A_226] : memref<16x80x125xi32, #tpu.memory_space<hbm>> -> memref<1x80x125xi32, #tpu.memory_space<hbm>>
      %dma_start3A_228 = tpu.memref_squeeze %dma_start3A_227 : memref<1x80x125xi32, #tpu.memory_space<hbm>> -> memref<80x125xi32, #tpu.memory_space<hbm>>
      tpu.enqueue_dma source(%dma_start3A_228 : memref<80x125xi32, #tpu.memory_space<hbm>>) target(%arg12 : memref<80x125xi32, #tpu.memory_space<vmem>>) target_semaphore(%run_scoped3A : memref<!tpu.dma_semaphore, #tpu.memory_space<semaphore_mem>>)
      %dma_wait3A = arith.constant 0 : i32
      %dma_wait3A_229 = arith.constant 0 : i32
      %dma_wait3A_230 = tpu.memref_slice %arg4[%arg1, %dma_wait3A, %dma_wait3A_229] : memref<16x80x125xi32, #tpu.memory_space<hbm>> -> memref<1x80x125xi32, #tpu.memory_space<hbm>>
      %dma_wait3A_231 = tpu.memref_squeeze %dma_wait3A_230 : memref<1x80x125xi32, #tpu.memory_space<hbm>> -> memref<80x125xi32, #tpu.memory_space<hbm>>
      %dma_wait3A_232 = arith.constant 0 : i32
      %dma_wait3A_233 = arith.constant 0 : i32
      %dma_wait3A_234 = tpu.memref_slice %arg4[%arg1, %dma_wait3A_232, %dma_wait3A_233] : memref<16x80x125xi32, #tpu.memory_space<hbm>> -> memref<1x80x125xi32, #tpu.memory_space<hbm>>
      %dma_wait3A_235 = tpu.memref_squeeze %dma_wait3A_234 : memref<1x80x125xi32, #tpu.memory_space<hbm>> -> memref<80x125xi32, #tpu.memory_space<hbm>>
      tpu.wait_dma2 semaphore(%run_scoped3A : memref<!tpu.dma_semaphore, #tpu.memory_space<semaphore_mem>>) src(%dma_wait3A_235 : memref<80x125xi32, #tpu.memory_space<hbm>>) dst(%arg12 : memref<80x125xi32, #tpu.memory_space<vmem>>)
      tpu.yield
    }) : () -> ()
    "tpu.region"() ({
      %run_scoped3A = tpu.sem_alloc : memref<!tpu.dma_semaphore, #tpu.memory_space<semaphore_mem>>
      %dma_start3A = arith.constant 0 : i32
      %dma_start3A_222 = arith.constant 0 : i32
      %dma_start3A_223 = tpu.memref_slice %arg5[%arg0, %dma_start3A, %dma_start3A_222] : memref<2x2x32xf32, #tpu.memory_space<hbm>> -> memref<1x2x32xf32, #tpu.memory_space<hbm>>
      %dma_start3A_224 = tpu.memref_squeeze %dma_start3A_223 : memref<1x2x32xf32, #tpu.memory_space<hbm>> -> memref<2x32xf32, #tpu.memory_space<hbm>>
      %dma_start3A_225 = arith.constant 0 : i32
      %dma_start3A_226 = arith.constant 0 : i32
      %dma_start3A_227 = tpu.memref_slice %arg5[%arg0, %dma_start3A_225, %dma_start3A_226] : memref<2x2x32xf32, #tpu.memory_space<hbm>> -> memref<1x2x32xf32, #tpu.memory_space<hbm>>
      %dma_start3A_228 = tpu.memref_squeeze %dma_start3A_227 : memref<1x2x32xf32, #tpu.memory_space<hbm>> -> memref<2x32xf32, #tpu.memory_space<hbm>>
      tpu.enqueue_dma source(%dma_start3A_228 : memref<2x32xf32, #tpu.memory_space<hbm>>) target(%arg23 : memref<2x32xf32, #tpu.memory_space<vmem>>) target_semaphore(%run_scoped3A : memref<!tpu.dma_semaphore, #tpu.memory_space<semaphore_mem>>)
      %dma_wait3A = arith.constant 0 : i32
      %dma_wait3A_229 = arith.constant 0 : i32
      %dma_wait3A_230 = tpu.memref_slice %arg5[%arg0, %dma_wait3A, %dma_wait3A_229] : memref<2x2x32xf32, #tpu.memory_space<hbm>> -> memref<1x2x32xf32, #tpu.memory_space<hbm>>
      %dma_wait3A_231 = tpu.memref_squeeze %dma_wait3A_230 : memref<1x2x32xf32, #tpu.memory_space<hbm>> -> memref<2x32xf32, #tpu.memory_space<hbm>>
      %dma_wait3A_232 = arith.constant 0 : i32
      %dma_wait3A_233 = arith.constant 0 : i32
      %dma_wait3A_234 = tpu.memref_slice %arg5[%arg0, %dma_wait3A_232, %dma_wait3A_233] : memref<2x2x32xf32, #tpu.memory_space<hbm>> -> memref<1x2x32xf32, #tpu.memory_space<hbm>>
      %dma_wait3A_235 = tpu.memref_squeeze %dma_wait3A_234 : memref<1x2x32xf32, #tpu.memory_space<hbm>> -> memref<2x32xf32, #tpu.memory_space<hbm>>
      tpu.wait_dma2 semaphore(%run_scoped3A : memref<!tpu.dma_semaphore, #tpu.memory_space<semaphore_mem>>) src(%dma_wait3A_235 : memref<2x32xf32, #tpu.memory_space<hbm>>) dst(%arg23 : memref<2x32xf32, #tpu.memory_space<vmem>>)
      tpu.yield
    }) : () -> ()
    %broadcast_in_dim3A = arith.constant 0.000000e+00 : f32
    %broadcast_in_dim3A_1 = vector.broadcast %broadcast_in_dim3A : f32 to vector<16xf32>
    %scan3A = arith.constant 0 : i32
    %scan3A_2 = arith.constant 0 : i32
    %scan3A_3 = arith.constant 32 : i32
    %scan3A_4 = arith.addi %scan3A_2, %scan3A_3 : i32
    %scan3A_5 = arith.constant 1 : i32
    %scan3A_6 = scf.for %scan3A_222 = %scan3A_2 to %scan3A_4 step %scan3A_5 iter_args(%scan3A_223 = %scan3A) -> (i32)  : i32 {
      %swap3A_224 = arith.index_cast %scan3A_222 : i32 to index
      %swap3A_225 = arith.constant 0 : index
      %swap3A_226 = tpu.vector_load %arg14[%swap3A_224, %swap3A_225] {strides = array<i32>} : memref<32x32xf32, #tpu.memory_space<vmem>>, vector<1x16xf32>,
      %swap3A_227 = vector.shape_cast %swap3A_226 : vector<1x16xf32> to vector<16xf32>
      %swap3A_228 = vector.shape_cast %broadcast_in_dim3A_1 : vector<16xf32> to vector<1x16xf32>
      tpu.vector_store %arg14[%swap3A_224, %swap3A_225], %swap3A_228 {strides = array<i32>} : memref<32x32xf32, #tpu.memory_space<vmem>>, vector<1x16xf32>,
      %swap3A_229 = arith.index_cast %scan3A_222 : i32 to index
      %swap3A_230 = arith.constant 16 : index
      %swap3A_231 = tpu.vector_load %arg14[%swap3A_229, %swap3A_230] {strides = array<i32>} : memref<32x32xf32, #tpu.memory_space<vmem>>, vector<1x16xf32>,
      %swap3A_232 = vector.shape_cast %swap3A_231 : vector<1x16xf32> to vector<16xf32>
      %swap3A_233 = vector.shape_cast %broadcast_in_dim3A_1 : vector<16xf32> to vector<1x16xf32>
      tpu.vector_store %arg14[%swap3A_229, %swap3A_230], %swap3A_233 {strides = array<i32>} : memref<32x32xf32, #tpu.memory_space<vmem>>, vector<1x16xf32>,
      %scan3A_234 = arith.constant 0 : i32
      scf.yield %scan3A_234 : i32
    }
    %scan3A_7 = arith.constant 32 : i32
    %scan3A_8 = arith.constant 0 : i32
    %scan3A_9 = arith.constant 0 : i32
    %scan3A_10 = arith.constant 40 : i32
    %scan3A_11 = arith.addi %scan3A_9, %scan3A_10 : i32
    %scan3A_12 = arith.constant 1 : i32
    %scan3A_13 = scf.for %scan3A_222 = %scan3A_9 to %scan3A_11 step %scan3A_12 iter_args(%scan3A_223 = %scan3A_8) -> (i32)  : i32 {
      %mul3A_224 = arith.constant 16 : i32
      %mul3A_225 = arith.muli %scan3A_222, %mul3A_224 : i32
      %swap3A_226 = arith.index_cast %mul3A_225 : i32 to index
      %swap3A_227 = tpu.vector_load %arg17[%swap3A_226] {strides = array<i32>} : memref<656xf32, #tpu.memory_space<vmem>>, vector<16xf32>,
      %swap3A_228 = vector.shape_cast %swap3A_227 : vector<16xf32> to vector<16xf32>
      %swap3A_229 = vector.shape_cast %broadcast_in_dim3A_1 : vector<16xf32> to vector<16xf32>
      tpu.vector_store %arg17[%swap3A_226], %swap3A_229 {strides = array<i32>} : memref<656xf32, #tpu.memory_space<vmem>>, vector<16xf32>,
      %scan3A_230 = arith.constant 0 : i32
      scf.yield %scan3A_230 : i32
    }
    %scan3A_14 = arith.constant 40 : i32
    %scan3A_15 = arith.constant 0 : i32
    %scan3A_16 = arith.constant 0 : i32
    %scan3A_17 = arith.constant 8 : i32
    %scan3A_18 = arith.addi %scan3A_16, %scan3A_17 : i32
    %scan3A_19 = arith.constant 1 : i32
    %scan3A_20 = scf.for %scan3A_222 = %scan3A_16 to %scan3A_18 step %scan3A_19 iter_args(%scan3A_223 = %scan3A_15) -> (i32)  : i32 {
      %broadcast_in_dim3A_224 = arith.constant 1.000000e+00 : f32
      %broadcast_in_dim3A_225 = vector.broadcast %broadcast_in_dim3A_224 : f32 to vector<16xf32>
      %mul3A_226 = arith.constant 16 : i32
      %mul3A_227 = arith.muli %scan3A_222, %mul3A_226 : i32
      %swap3A_228 = arith.index_cast %mul3A_227 : i32 to index
      %swap3A_229 = tpu.vector_load %arg20[%swap3A_228] {strides = array<i32>} : memref<128xf32, #tpu.memory_space<vmem>>, vector<16xf32>,
      %swap3A_230 = vector.shape_cast %swap3A_229 : vector<16xf32> to vector<16xf32>
      %swap3A_231 = vector.shape_cast %broadcast_in_dim3A_225 : vector<16xf32> to vector<16xf32>
      tpu.vector_store %arg20[%swap3A_228], %swap3A_231 {strides = array<i32>} : memref<128xf32, #tpu.memory_space<vmem>>, vector<16xf32>,
      %scan3A_232 = arith.constant 0 : i32
      scf.yield %scan3A_232 : i32
    }
    %scan3A_21 = arith.constant 8 : i32
    "tpu.region"() ({
      %run_scoped3A = tpu.sem_alloc : memref<!tpu.dma_semaphore, #tpu.memory_space<semaphore_mem>>
      %dma_start3A = arith.constant 0 : i32
      %dma_start3A_222 = tpu.memref_slice %arg17[%dma_start3A] : memref<656xf32, #tpu.memory_space<vmem>> -> memref<640xf32, #tpu.memory_space<vmem>>
      %dma_start3A_223 = tpu.memref_slice %arg9[%mul3A_0] : memref<10240xf32, #tpu.memory_space<vmem_shared>> -> memref<640xf32, #tpu.memory_space<vmem_shared>>
      %dma_start3A_224 = tpu.memref_slice %arg9[%mul3A_0] : memref<10240xf32, #tpu.memory_space<vmem_shared>> -> memref<640xf32, #tpu.memory_space<vmem_shared>>
      %dma_start3A_225 = arith.constant 0 : i32
      %dma_start3A_226 = tpu.memref_slice %arg17[%dma_start3A_225] : memref<656xf32, #tpu.memory_space<vmem>> -> memref<640xf32, #tpu.memory_space<vmem>>
      tpu.enqueue_dma source(%dma_start3A_226 : memref<640xf32, #tpu.memory_space<vmem>>) target(%dma_start3A_224 : memref<640xf32, #tpu.memory_space<vmem_shared>>) target_semaphore(%run_scoped3A : memref<!tpu.dma_semaphore, #tpu.memory_space<semaphore_mem>>)
      %dma_wait3A = arith.constant 0 : i32
      %dma_wait3A_227 = tpu.memref_slice %arg17[%dma_wait3A] : memref<656xf32, #tpu.memory_space<vmem>> -> memref<640xf32, #tpu.memory_space<vmem>>
      %dma_wait3A_228 = tpu.memref_slice %arg9[%mul3A_0] : memref<10240xf32, #tpu.memory_space<vmem_shared>> -> memref<640xf32, #tpu.memory_space<vmem_shared>>
      %dma_wait3A_229 = tpu.memref_slice %arg9[%mul3A_0] : memref<10240xf32, #tpu.memory_space<vmem_shared>> -> memref<640xf32, #tpu.memory_space<vmem_shared>>
      %dma_wait3A_230 = arith.constant 0 : i32
      %dma_wait3A_231 = tpu.memref_slice %arg17[%dma_wait3A_230] : memref<656xf32, #tpu.memory_space<vmem>> -> memref<640xf32, #tpu.memory_space<vmem>>
      tpu.wait_dma2 semaphore(%run_scoped3A : memref<!tpu.dma_semaphore, #tpu.memory_space<semaphore_mem>>) src(%dma_wait3A_231 : memref<640xf32, #tpu.memory_space<vmem>>) dst(%dma_wait3A_229 : memref<640xf32, #tpu.memory_space<vmem_shared>>)
      tpu.yield
    }) : () -> ()
    %scan3A_22 = arith.constant 0 : i32
    %scan3A_23 = arith.constant 0 : i32
    %scan3A_24 = arith.constant 20 : i32
    %scan3A_25 = arith.addi %scan3A_23, %scan3A_24 : i32
    %scan3A_26 = arith.constant 1 : i32
    %scan3A_27 = scf.for %scan3A_222 = %scan3A_23 to %scan3A_25 step %scan3A_26 iter_args(%scan3A_223 = %scan3A_22) -> (i32)  : i32 {
      %mul3A_224 = arith.constant 32 : i32
      %mul3A_225 = arith.muli %scan3A_222, %mul3A_224 : i32
      %add3A_226 = arith.addi %mul3A_0, %mul3A_225 : i32
      "tpu.region"() ({
        %run_scoped3A = tpu.sem_alloc : memref<!tpu.dma_semaphore, #tpu.memory_space<semaphore_mem>>
        %dma_start3A = arith.constant 0 : i32
        %dma_start3A_228 = tpu.memref_slice %arg8[%add3A_226, %dma_start3A] : memref<10240x32xf32, #tpu.memory_space<vmem_shared>> -> memref<32x32xf32, #tpu.memory_space<vmem_shared>>
        %dma_start3A_229 = arith.constant 0 : i32
        %dma_start3A_230 = tpu.memref_slice %arg8[%add3A_226, %dma_start3A_229] : memref<10240x32xf32, #tpu.memory_space<vmem_shared>> -> memref<32x32xf32, #tpu.memory_space<vmem_shared>>
        tpu.enqueue_dma source(%arg14 : memref<32x32xf32, #tpu.memory_space<vmem>>) target(%dma_start3A_230 : memref<32x32xf32, #tpu.memory_space<vmem_shared>>) target_semaphore(%run_scoped3A : memref<!tpu.dma_semaphore, #tpu.memory_space<semaphore_mem>>)
        %dma_wait3A = arith.constant 0 : i32
        %dma_wait3A_231 = tpu.memref_slice %arg8[%add3A_226, %dma_wait3A] : memref<10240x32xf32, #tpu.memory_space<vmem_shared>> -> memref<32x32xf32, #tpu.memory_space<vmem_shared>>
        %dma_wait3A_232 = arith.constant 0 : i32
        %dma_wait3A_233 = tpu.memref_slice %arg8[%add3A_226, %dma_wait3A_232] : memref<10240x32xf32, #tpu.memory_space<vmem_shared>> -> memref<32x32xf32, #tpu.memory_space<vmem_shared>>
        tpu.wait_dma2 semaphore(%run_scoped3A : memref<!tpu.dma_semaphore, #tpu.memory_space<semaphore_mem>>) src(%arg14 : memref<32x32xf32, #tpu.memory_space<vmem>>) dst(%dma_wait3A_233 : memref<32x32xf32, #tpu.memory_space<vmem_shared>>)
        tpu.yield
      }) : () -> ()
      %scan3A_227 = arith.constant 0 : i32
      scf.yield %scan3A_227 : i32
    }
    %scan3A_28 = arith.constant 20 : i32
    %barrier3A = arith.constant 0 : index
    tpu.barrier barrier_id(%barrier3A)
    %scan3A_29 = arith.constant 0 : i32
    %scan3A_30 = arith.constant 0 : i32
    %scan3A_31 = arith.constant 80 : i32
    %scan3A_32 = arith.addi %scan3A_30, %scan3A_31 : i32
    %scan3A_33 = arith.constant 1 : i32
    %scan3A_34 = scf.for %scan3A_222 = %scan3A_30 to %scan3A_32 step %scan3A_33 iter_args(%scan3A_223 = %scan3A_29) -> (i32)  : i32 {
      %dma_start3A = arith.constant 0 : i32
      %dma_start3A_224 = tpu.memref_slice %arg20[%dma_start3A] : memref<128xf32, #tpu.memory_space<vmem>> -> memref<125xf32, #tpu.memory_space<vmem>>
      %dma_start3A_225 = arith.constant 0 : i32
      %dma_start3A_226 = tpu.memref_slice %arg12[%scan3A_222, %dma_start3A_225] : memref<80x125xi32, #tpu.memory_space<vmem>> -> memref<1x125xi32, #tpu.memory_space<vmem>>
      %dma_start3A_227 = tpu.memref_squeeze %dma_start3A_226 : memref<1x125xi32, #tpu.memory_space<vmem>> -> memref<125xi32, #tpu.memory_space<vmem>>
      %dma_start3A_228 = arith.constant 0 : i32
      %dma_start3A_229 = tpu.memref_slice %arg9[%dma_start3A_228] : memref<10240xf32, #tpu.memory_space<vmem_shared>> -> memref<10240xf32, #tpu.memory_space<vmem_shared>>
      tpu.enqueue_indirect_dma source(%dma_start3A_224 : memref<125xf32, #tpu.memory_space<vmem>>) target(%dma_start3A_229 : memref<10240xf32, #tpu.memory_space<vmem_shared>>) offsets(%dma_start3A_227 : memref<125xi32, #tpu.memory_space<vmem>>) semaphore(%arg25 : memref<!tpu.dma_semaphore, #tpu.memory_space<semaphore_mem>>) {add = true}
      %scan3A_230 = arith.constant 0 : i32
      scf.yield %scan3A_230 : i32
    }
    %scan3A_35 = arith.constant 80 : i32
    %scan3A_36 = arith.constant 0 : i32
    %scan3A_37 = arith.constant 0 : i32
    %scan3A_38 = arith.constant 80 : i32
    %scan3A_39 = arith.addi %scan3A_37, %scan3A_38 : i32
    %scan3A_40 = arith.constant 1 : i32
    %scan3A_41 = scf.for %scan3A_222 = %scan3A_37 to %scan3A_39 step %scan3A_40 iter_args(%scan3A_223 = %scan3A_36) -> (i32)  : i32 {
      %dma_wait3A = arith.constant 0 : i32
      %dma_wait3A_224 = arith.constant 0 : i32
      %dma_wait3A_225 = tpu.memref_slice %arg20[%dma_wait3A_224] : memref<128xf32, #tpu.memory_space<vmem>> -> memref<125xf32, #tpu.memory_space<vmem>>
      %dma_wait3A_226 = arith.constant 0 : i32
      %dma_wait3A_227 = tpu.memref_slice %arg12[%dma_wait3A, %dma_wait3A_226] : memref<80x125xi32, #tpu.memory_space<vmem>> -> memref<1x125xi32, #tpu.memory_space<vmem>>
      %dma_wait3A_228 = tpu.memref_squeeze %dma_wait3A_227 : memref<1x125xi32, #tpu.memory_space<vmem>> -> memref<125xi32, #tpu.memory_space<vmem>>
      %dma_wait3A_229 = arith.constant 0 : i32
      %dma_wait3A_230 = tpu.memref_slice %arg9[%dma_wait3A_229] : memref<10240xf32, #tpu.memory_space<vmem_shared>> -> memref<10240xf32, #tpu.memory_space<vmem_shared>>
      tpu.wait_indirect_dma semaphore(%arg25 : memref<!tpu.dma_semaphore, #tpu.memory_space<semaphore_mem>>) src(%dma_wait3A_225 : memref<125xf32, #tpu.memory_space<vmem>>) dst(%dma_wait3A_230 : memref<10240xf32, #tpu.memory_space<vmem_shared>>)
      %scan3A_231 = arith.constant 0 : i32
      scf.yield %scan3A_231 : i32
    }
    %scan3A_42 = arith.constant 80 : i32
    %barrier3A_43 = arith.constant 0 : index
    tpu.barrier barrier_id(%barrier3A_43)
    "tpu.region"() ({
      %run_scoped3A = tpu.sem_alloc : memref<!tpu.dma_semaphore, #tpu.memory_space<semaphore_mem>>
      %dma_start3A = arith.constant 0 : i32
      %dma_start3A_222 = tpu.memref_slice %arg17[%dma_start3A] : memref<656xf32, #tpu.memory_space<vmem>> -> memref<640xf32, #tpu.memory_space<vmem>>
      %dma_start3A_223 = tpu.memref_slice %arg9[%mul3A_0] : memref<10240xf32, #tpu.memory_space<vmem_shared>> -> memref<640xf32, #tpu.memory_space<vmem_shared>>
      %dma_start3A_224 = arith.constant 0 : i32
      %dma_start3A_225 = tpu.memref_slice %arg17[%dma_start3A_224] : memref<656xf32, #tpu.memory_space<vmem>> -> memref<640xf32, #tpu.memory_space<vmem>>
      %dma_start3A_226 = tpu.memref_slice %arg9[%mul3A_0] : memref<10240xf32, #tpu.memory_space<vmem_shared>> -> memref<640xf32, #tpu.memory_space<vmem_shared>>
      tpu.enqueue_dma source(%dma_start3A_226 : memref<640xf32, #tpu.memory_space<vmem_shared>>) target(%dma_start3A_225 : memref<640xf32, #tpu.memory_space<vmem>>) target_semaphore(%run_scoped3A : memref<!tpu.dma_semaphore, #tpu.memory_space<semaphore_mem>>)
      %dma_wait3A = arith.constant 0 : i32
      %dma_wait3A_227 = tpu.memref_slice %arg17[%dma_wait3A] : memref<656xf32, #tpu.memory_space<vmem>> -> memref<640xf32, #tpu.memory_space<vmem>>
      %dma_wait3A_228 = tpu.memref_slice %arg9[%mul3A_0] : memref<10240xf32, #tpu.memory_space<vmem_shared>> -> memref<640xf32, #tpu.memory_space<vmem_shared>>
      %dma_wait3A_229 = arith.constant 0 : i32
      %dma_wait3A_230 = tpu.memref_slice %arg17[%dma_wait3A_229] : memref<656xf32, #tpu.memory_space<vmem>> -> memref<640xf32, #tpu.memory_space<vmem>>
      %dma_wait3A_231 = tpu.memref_slice %arg9[%mul3A_0] : memref<10240xf32, #tpu.memory_space<vmem_shared>> -> memref<640xf32, #tpu.memory_space<vmem_shared>>
      tpu.wait_dma2 semaphore(%run_scoped3A : memref<!tpu.dma_semaphore, #tpu.memory_space<semaphore_mem>>) src(%dma_wait3A_231 : memref<640xf32, #tpu.memory_space<vmem_shared>>) dst(%dma_wait3A_230 : memref<640xf32, #tpu.memory_space<vmem>>)
      tpu.yield
    }) : () -> ()
    %scan3A_44 = arith.constant 0 : i32
    %scan3A_45 = arith.constant 0 : i32
    %scan3A_46 = arith.constant 40 : i32
    %scan3A_47 = arith.addi %scan3A_45, %scan3A_46 : i32
    %scan3A_48 = arith.constant 1 : i32
    %scan3A_49 = scf.for %scan3A_222 = %scan3A_45 to %scan3A_47 step %scan3A_48 iter_args(%scan3A_223 = %scan3A_44) -> (i32)  : i32 {
      %mul3A_224 = arith.constant 16 : i32
      %mul3A_225 = arith.muli %scan3A_222, %mul3A_224 : i32
      %get3A_226 = arith.index_cast %mul3A_225 : i32 to index
      %get3A_227 = tpu.vector_load %arg17[%get3A_226] {strides = array<i32>} : memref<656xf32, #tpu.memory_space<vmem>>, vector<16xf32>,
      %get3A_228 = vector.shape_cast %get3A_227 : vector<16xf32> to vector<16xf32>
      %add3A_229 = arith.constant 1.000000e+00 : f32
      %add3A_230 = vector.broadcast %add3A_229 : f32 to vector<16xf32>
      %add3A_231 = arith.addf %get3A_228, %add3A_230 : vector<16xf32>
      %bitcast_convert_type3A_232 = tpu.bitcast %add3A_231 : vector<16xf32> -> vector<16xi32>
      %shift_right_arithmetic3A_233 = arith.constant 1 : i32
      %shift_right_arithmetic3A_234 = vector.broadcast %shift_right_arithmetic3A_233 : i32 to vector<16xi32>
      %shift_right_arithmetic3A_235 = arith.shrsi %bitcast_convert_type3A_232, %shift_right_arithmetic3A_234 : vector<16xi32>
      %sub3A_236 = arith.constant 1597463007 : i32
      %sub3A_237 = vector.broadcast %sub3A_236 : i32 to vector<16xi32>
      %sub3A_238 = arith.subi %sub3A_237, %shift_right_arithmetic3A_235 : vector<16xi32>
      %bitcast_convert_type3A_239 = tpu.bitcast %sub3A_238 : vector<16xi32> -> vector<16xf32>
      %mul3A_240 = arith.constant 5.000000e-01 : f32
      %mul3A_241 = vector.broadcast %mul3A_240 : f32 to vector<16xf32>
      %mul3A_242 = arith.mulf %mul3A_241, %add3A_231 : vector<16xf32>
      %mul3A_243 = arith.mulf %mul3A_242, %bitcast_convert_type3A_239 : vector<16xf32>
      %mul3A_244 = arith.mulf %mul3A_243, %bitcast_convert_type3A_239 : vector<16xf32>
      %sub3A_245 = arith.constant 1.500000e+00 : f32
      %sub3A_246 = vector.broadcast %sub3A_245 : f32 to vector<16xf32>
      %sub3A_247 = arith.subf %sub3A_246, %mul3A_244 : vector<16xf32>
      %mul3A_248 = arith.mulf %bitcast_convert_type3A_239, %sub3A_247 : vector<16xf32>
      %mul3A_249 = arith.constant 5.000000e-01 : f32
      %mul3A_250 = vector.broadcast %mul3A_249 : f32 to vector<16xf32>
      %mul3A_251 = arith.mulf %mul3A_250, %add3A_231 : vector<16xf32>
      %mul3A_252 = arith.mulf %mul3A_251, %mul3A_248 : vector<16xf32>
      %mul3A_253 = arith.mulf %mul3A_252, %mul3A_248 : vector<16xf32>
      %sub3A_254 = arith.constant 1.500000e+00 : f32
      %sub3A_255 = vector.broadcast %sub3A_254 : f32 to vector<16xf32>
      %sub3A_256 = arith.subf %sub3A_255, %mul3A_253 : vector<16xf32>
      %mul3A_257 = arith.mulf %mul3A_248, %sub3A_256 : vector<16xf32>
      %mul3A_258 = arith.constant 5.000000e-01 : f32
      %mul3A_259 = vector.broadcast %mul3A_258 : f32 to vector<16xf32>
      %mul3A_260 = arith.mulf %mul3A_259, %add3A_231 : vector<16xf32>
      %mul3A_261 = arith.mulf %mul3A_260, %mul3A_257 : vector<16xf32>
      %mul3A_262 = arith.mulf %mul3A_261, %mul3A_257 : vector<16xf32>
      %sub3A_263 = arith.constant 1.500000e+00 : f32
      %sub3A_264 = vector.broadcast %sub3A_263 : f32 to vector<16xf32>
      %sub3A_265 = arith.subf %sub3A_264, %mul3A_262 : vector<16xf32>
      %mul3A_266 = arith.mulf %mul3A_257, %sub3A_265 : vector<16xf32>
      %mul3A_267 = arith.constant 16 : i32
      %mul3A_268 = arith.muli %scan3A_222, %mul3A_267 : i32
      %swap3A_269 = arith.index_cast %mul3A_268 : i32 to index
      %swap3A_270 = tpu.vector_load %arg17[%swap3A_269] {strides = array<i32>} : memref<656xf32, #tpu.memory_space<vmem>>, vector<16xf32>,
      %swap3A_271 = vector.shape_cast %swap3A_270 : vector<16xf32> to vector<16xf32>
      %swap3A_272 = vector.shape_cast %mul3A_266 : vector<16xf32> to vector<16xf32>
      tpu.vector_store %arg17[%swap3A_269], %swap3A_272 {strides = array<i32>} : memref<656xf32, #tpu.memory_space<vmem>>, vector<16xf32>,
      %div3A = arith.constant 0.899999976 : f32
      %div3A_273 = vector.broadcast %div3A : f32 to vector<16xf32>
      %div3A_274 = arith.divf %div3A_273, %add3A_231 : vector<16xf32>
      %mul3A_275 = arith.constant 16 : i32
      %mul3A_276 = arith.muli %scan3A_222, %mul3A_275 : i32
      %swap3A_277 = arith.index_cast %mul3A_276 : i32 to index
      %swap3A_278 = tpu.vector_load %arg18[%swap3A_277] {strides = array<i32>} : memref<656xf32, #tpu.memory_space<vmem>>, vector<16xf32>,
      %swap3A_279 = vector.shape_cast %swap3A_278 : vector<16xf32> to vector<16xf32>
      %swap3A_280 = vector.shape_cast %div3A_274 : vector<16xf32> to vector<16xf32>
      tpu.vector_store %arg18[%swap3A_277], %swap3A_280 {strides = array<i32>} : memref<656xf32, #tpu.memory_space<vmem>>, vector<16xf32>,
      %mul3A_281 = arith.mulf %add3A_231, %mul3A_266 : vector<16xf32>
      %mul3A_282 = arith.constant 16 : i32
      %mul3A_283 = arith.muli %scan3A_222, %mul3A_282 : i32
      %swap3A_284 = arith.index_cast %mul3A_283 : i32 to index
      %swap3A_285 = tpu.vector_load %arg19[%swap3A_284] {strides = array<i32>} : memref<656xf32, #tpu.memory_space<vmem>>, vector<16xf32>,
      %swap3A_286 = vector.shape_cast %swap3A_285 : vector<16xf32> to vector<16xf32>
      %swap3A_287 = vector.shape_cast %mul3A_281 : vector<16xf32> to vector<16xf32>
      tpu.vector_store %arg19[%swap3A_284], %swap3A_287 {strides = array<i32>} : memref<656xf32, #tpu.memory_space<vmem>>, vector<16xf32>,
      %scan3A_288 = arith.constant 0 : i32
      scf.yield %scan3A_288 : i32
    }
    %scan3A_50 = arith.constant 40 : i32
    %scan3A_51 = arith.constant 0 : i32
    %scan3A_52 = arith.constant 0 : i32
    %scan3A_53 = arith.constant 5 : i32
    %scan3A_54 = arith.addi %scan3A_52, %scan3A_53 : i32
    %scan3A_55 = arith.constant 1 : i32
    %scan3A_56 = scf.for %scan3A_222 = %scan3A_52 to %scan3A_54 step %scan3A_55 iter_args(%scan3A_223 = %scan3A_51) -> (i32)  : i32 {
      %mul3A_224 = arith.constant 128 : i32
      %mul3A_225 = arith.muli %scan3A_222, %mul3A_224 : i32
      %add3A_226 = arith.addi %mul3A_0, %mul3A_225 : i32
      %run_scoped3A = arith.constant 0 : i32
      "tpu.region"() ({
        %run_scoped3A_235 = tpu.sem_alloc : memref<!tpu.dma_semaphore, #tpu.memory_space<semaphore_mem>>
        %dma_start3A = arith.constant 0 : i32
        %dma_start3A_236 = arith.constant 0 : i32
        %dma_start3A_237 = tpu.memref_slice %arg13[%run_scoped3A, %dma_start3A, %dma_start3A_236] : memref<4x128x32xf32, #tpu.memory_space<vmem>> -> memref<1x128x32xf32, #tpu.memory_space<vmem>>
        %dma_start3A_238 = tpu.memref_squeeze %dma_start3A_237 : memref<1x128x32xf32, #tpu.memory_space<vmem>> -> memref<128x32xf32, #tpu.memory_space<vmem>>
        %dma_start3A_239 = arith.constant 0 : i32
        %dma_start3A_240 = tpu.memref_slice %arg2[%arg0, %add3A_226, %dma_start3A_239] : memref<2x10240x32xf32, #tpu.memory_space<hbm>> -> memref<1x128x32xf32, #tpu.memory_space<hbm>>
        %dma_start3A_241 = tpu.memref_squeeze %dma_start3A_240 : memref<1x128x32xf32, #tpu.memory_space<hbm>> -> memref<128x32xf32, #tpu.memory_space<hbm>>
        %dma_start3A_242 = arith.constant 0 : i32
        %dma_start3A_243 = arith.constant 0 : i32
        %dma_start3A_244 = tpu.memref_slice %arg13[%run_scoped3A, %dma_start3A_242, %dma_start3A_243] : memref<4x128x32xf32, #tpu.memory_space<vmem>> -> memref<1x128x32xf32, #tpu.memory_space<vmem>>
        %dma_start3A_245 = tpu.memref_squeeze %dma_start3A_244 : memref<1x128x32xf32, #tpu.memory_space<vmem>> -> memref<128x32xf32, #tpu.memory_space<vmem>>
        %dma_start3A_246 = arith.constant 0 : i32
        %dma_start3A_247 = tpu.memref_slice %arg2[%arg0, %add3A_226, %dma_start3A_246] : memref<2x10240x32xf32, #tpu.memory_space<hbm>> -> memref<1x128x32xf32, #tpu.memory_space<hbm>>
        %dma_start3A_248 = tpu.memref_squeeze %dma_start3A_247 : memref<1x128x32xf32, #tpu.memory_space<hbm>> -> memref<128x32xf32, #tpu.memory_space<hbm>>
        tpu.enqueue_dma source(%dma_start3A_248 : memref<128x32xf32, #tpu.memory_space<hbm>>) target(%dma_start3A_245 : memref<128x32xf32, #tpu.memory_space<vmem>>) target_semaphore(%run_scoped3A_235 : memref<!tpu.dma_semaphore, #tpu.memory_space<semaphore_mem>>)
        %dma_wait3A = arith.constant 0 : i32
        %dma_wait3A_249 = arith.constant 0 : i32
        %dma_wait3A_250 = tpu.memref_slice %arg13[%run_scoped3A, %dma_wait3A, %dma_wait3A_249] : memref<4x128x32xf32, #tpu.memory_space<vmem>> -> memref<1x128x32xf32, #tpu.memory_space<vmem>>
        %dma_wait3A_251 = tpu.memref_squeeze %dma_wait3A_250 : memref<1x128x32xf32, #tpu.memory_space<vmem>> -> memref<128x32xf32, #tpu.memory_space<vmem>>
        %dma_wait3A_252 = arith.constant 0 : i32
        %dma_wait3A_253 = tpu.memref_slice %arg2[%arg0, %add3A_226, %dma_wait3A_252] : memref<2x10240x32xf32, #tpu.memory_space<hbm>> -> memref<1x128x32xf32, #tpu.memory_space<hbm>>
        %dma_wait3A_254 = tpu.memref_squeeze %dma_wait3A_253 : memref<1x128x32xf32, #tpu.memory_space<hbm>> -> memref<128x32xf32, #tpu.memory_space<hbm>>
        %dma_wait3A_255 = arith.constant 0 : i32
        %dma_wait3A_256 = arith.constant 0 : i32
        %dma_wait3A_257 = tpu.memref_slice %arg13[%run_scoped3A, %dma_wait3A_255, %dma_wait3A_256] : memref<4x128x32xf32, #tpu.memory_space<vmem>> -> memref<1x128x32xf32, #tpu.memory_space<vmem>>
        %dma_wait3A_258 = tpu.memref_squeeze %dma_wait3A_257 : memref<1x128x32xf32, #tpu.memory_space<vmem>> -> memref<128x32xf32, #tpu.memory_space<vmem>>
        %dma_wait3A_259 = arith.constant 0 : i32
        %dma_wait3A_260 = tpu.memref_slice %arg2[%arg0, %add3A_226, %dma_wait3A_259] : memref<2x10240x32xf32, #tpu.memory_space<hbm>> -> memref<1x128x32xf32, #tpu.memory_space<hbm>>
        %dma_wait3A_261 = tpu.memref_squeeze %dma_wait3A_260 : memref<1x128x32xf32, #tpu.memory_space<hbm>> -> memref<128x32xf32, #tpu.memory_space<hbm>>
        tpu.wait_dma2 semaphore(%run_scoped3A_235 : memref<!tpu.dma_semaphore, #tpu.memory_space<semaphore_mem>>) src(%dma_wait3A_261 : memref<128x32xf32, #tpu.memory_space<hbm>>) dst(%dma_wait3A_258 : memref<128x32xf32, #tpu.memory_space<vmem>>)
        tpu.yield
      }) : () -> ()
      %scan3A_227 = arith.constant 0 : i32
      %scan3A_228 = arith.constant 0 : i32
      %scan3A_229 = arith.constant 128 : i32
      %scan3A_230 = arith.addi %scan3A_228, %scan3A_229 : i32
      %scan3A_231 = arith.constant 1 : i32
      %scan3A_232 = scf.for %scan3A_235 = %scan3A_228 to %scan3A_230 step %scan3A_231 iter_args(%scan3A_236 = %scan3A_227) -> (i32)  : i32 {
        %mul3A_237 = arith.constant 128 : i32
        %mul3A_238 = arith.muli %scan3A_222, %mul3A_237 : i32
        %add3A_239 = arith.addi %mul3A_238, %scan3A_235 : i32
        %get3A_240 = arith.index_cast %add3A_239 : i32 to index
        %get3A_241 = tpu.vector_load %arg17[%get3A_240] {strides = array<i32>} : memref<656xf32, #tpu.memory_space<vmem>>, vector<16xf32>,
        %get3A_242 = vector.shape_cast %get3A_241 : vector<16xf32> to vector<16xf32>
        %slice3A = vector.extract_strided_slice %get3A_242 {offsets = [0], sizes = [1], strides = [1]} : vector<16xf32> to vector<1xf32>
        %squeeze3A = vector.extract %slice3A[0] : f32 from vector<1xf32>
        %get3A_243 = arith.constant 0 : i32
        %get3A_244 = arith.index_cast %get3A_243 : i32 to index
        %get3A_245 = arith.index_cast %scan3A_235 : i32 to index
        %get3A_246 = arith.constant 0 : index
        %get3A_247 = tpu.vector_load %arg13[%get3A_244, %get3A_245, %get3A_246] {strides = array<i32>} : memref<4x128x32xf32, #tpu.memory_space<vmem>>, vector<1x1x16xf32>,
        %get3A_248 = vector.shape_cast %get3A_247 : vector<1x1x16xf32> to vector<16xf32>
        %mul3A_249 = vector.broadcast %squeeze3A : f32 to vector<16xf32>
        %mul3A_250 = arith.mulf %get3A_248, %mul3A_249 : vector<16xf32>
        %get3A_251 = arith.constant 0 : i32
        %get3A_252 = arith.index_cast %get3A_251 : i32 to index
        %get3A_253 = arith.index_cast %scan3A_235 : i32 to index
        %get3A_254 = arith.constant 16 : index
        %get3A_255 = tpu.vector_load %arg13[%get3A_252, %get3A_253, %get3A_254] {strides = array<i32>} : memref<4x128x32xf32, #tpu.memory_space<vmem>>, vector<1x1x16xf32>,
        %get3A_256 = vector.shape_cast %get3A_255 : vector<1x1x16xf32> to vector<16xf32>
        %mul3A_257 = vector.broadcast %squeeze3A : f32 to vector<16xf32>
        %mul3A_258 = arith.mulf %get3A_256, %mul3A_257 : vector<16xf32>
        %swap3A_259 = arith.index_cast %add3A_239 : i32 to index
        %swap3A_260 = arith.constant 0 : index
        %swap3A_261 = tpu.vector_load %arg15[%swap3A_259, %swap3A_260] {strides = array<i32>} : memref<640x32xf32, #tpu.memory_space<vmem>>, vector<1x16xf32>,
        %swap3A_262 = vector.shape_cast %swap3A_261 : vector<1x16xf32> to vector<16xf32>
        %swap3A_263 = vector.shape_cast %mul3A_250 : vector<16xf32> to vector<1x16xf32>
        tpu.vector_store %arg15[%swap3A_259, %swap3A_260], %swap3A_263 {strides = array<i32>} : memref<640x32xf32, #tpu.memory_space<vmem>>, vector<1x16xf32>,
        %swap3A_264 = arith.index_cast %add3A_239 : i32 to index
        %swap3A_265 = arith.constant 16 : index
        %swap3A_266 = tpu.vector_load %arg15[%swap3A_264, %swap3A_265] {strides = array<i32>} : memref<640x32xf32, #tpu.memory_space<vmem>>, vector<1x16xf32>,
        %swap3A_267 = vector.shape_cast %swap3A_266 : vector<1x16xf32> to vector<16xf32>
        %swap3A_268 = vector.shape_cast %mul3A_258 : vector<16xf32> to vector<1x16xf32>
        tpu.vector_store %arg15[%swap3A_264, %swap3A_265], %swap3A_268 {strides = array<i32>} : memref<640x32xf32, #tpu.memory_space<vmem>>, vector<1x16xf32>,
        %mul3A_269 = arith.constant 1.000000e-01 : f32
        %mul3A_270 = vector.broadcast %mul3A_269 : f32 to vector<16xf32>
        %mul3A_271 = arith.mulf %mul3A_250, %mul3A_270 : vector<16xf32>
        %swap3A_272 = arith.index_cast %add3A_239 : i32 to index
        %swap3A_273 = arith.constant 0 : index
        %swap3A_274 = tpu.vector_load %arg16[%swap3A_272, %swap3A_273] {strides = array<i32>} : memref<640x32xf32, #tpu.memory_space<vmem>>, vector<1x16xf32>,
        %swap3A_275 = vector.shape_cast %swap3A_274 : vector<1x16xf32> to vector<16xf32>
        %swap3A_276 = vector.shape_cast %mul3A_271 : vector<16xf32> to vector<1x16xf32>
        tpu.vector_store %arg16[%swap3A_272, %swap3A_273], %swap3A_276 {strides = array<i32>} : memref<640x32xf32, #tpu.memory_space<vmem>>, vector<1x16xf32>,
        %mul3A_277 = arith.constant 1.000000e-01 : f32
        %mul3A_278 = vector.broadcast %mul3A_277 : f32 to vector<16xf32>
        %mul3A_279 = arith.mulf %mul3A_258, %mul3A_278 : vector<16xf32>
        %swap3A_280 = arith.index_cast %add3A_239 : i32 to index
        %swap3A_281 = arith.constant 16 : index
        %swap3A_282 = tpu.vector_load %arg16[%swap3A_280, %swap3A_281] {strides = array<i32>} : memref<640x32xf32, #tpu.memory_space<vmem>>, vector<1x16xf32>,
        %swap3A_283 = vector.shape_cast %swap3A_282 : vector<1x16xf32> to vector<16xf32>
        %swap3A_284 = vector.shape_cast %mul3A_279 : vector<16xf32> to vector<1x16xf32>
        tpu.vector_store %arg16[%swap3A_280, %swap3A_281], %swap3A_284 {strides = array<i32>} : memref<640x32xf32, #tpu.memory_space<vmem>>, vector<1x16xf32>,
        %scan3A_285 = arith.constant 0 : i32
        scf.yield %scan3A_285 : i32
      }
      %scan3A_233 = arith.constant 128 : i32
      %scan3A_234 = arith.constant 0 : i32
      scf.yield %scan3A_234 : i32
    }
    %scan3A_57 = arith.constant 5 : i32
    "tpu.region"() ({
      %run_scoped3A = tpu.sem_alloc : memref<!tpu.dma_semaphore, #tpu.memory_space<semaphore_mem>>
      %dma_start3A = arith.constant 0 : i32
      %dma_start3A_222 = tpu.memref_slice %arg7[%mul3A_0, %dma_start3A] : memref<10240x32xf32, #tpu.memory_space<vmem_shared>> -> memref<640x32xf32, #tpu.memory_space<vmem_shared>>
      %dma_start3A_223 = arith.constant 0 : i32
      %dma_start3A_224 = tpu.memref_slice %arg7[%mul3A_0, %dma_start3A_223] : memref<10240x32xf32, #tpu.memory_space<vmem_shared>> -> memref<640x32xf32, #tpu.memory_space<vmem_shared>>
      tpu.enqueue_dma source(%arg15 : memref<640x32xf32, #tpu.memory_space<vmem>>) target(%dma_start3A_224 : memref<640x32xf32, #tpu.memory_space<vmem_shared>>) target_semaphore(%run_scoped3A : memref<!tpu.dma_semaphore, #tpu.memory_space<semaphore_mem>>)
      %dma_wait3A = arith.constant 0 : i32
      %dma_wait3A_225 = tpu.memref_slice %arg7[%mul3A_0, %dma_wait3A] : memref<10240x32xf32, #tpu.memory_space<vmem_shared>> -> memref<640x32xf32, #tpu.memory_space<vmem_shared>>
      %dma_wait3A_226 = arith.constant 0 : i32
      %dma_wait3A_227 = tpu.memref_slice %arg7[%mul3A_0, %dma_wait3A_226] : memref<10240x32xf32, #tpu.memory_space<vmem_shared>> -> memref<640x32xf32, #tpu.memory_space<vmem_shared>>
      tpu.wait_dma2 semaphore(%run_scoped3A : memref<!tpu.dma_semaphore, #tpu.memory_space<semaphore_mem>>) src(%arg15 : memref<640x32xf32, #tpu.memory_space<vmem>>) dst(%dma_wait3A_227 : memref<640x32xf32, #tpu.memory_space<vmem_shared>>)
      tpu.yield
    }) : () -> ()
    %barrier3A_58 = arith.constant 0 : index
    tpu.barrier barrier_id(%barrier3A_58)
    %scan3A_59 = arith.constant 0 : i32
    %scan3A_60 = arith.constant 0 : i32
    %scan3A_61 = arith.constant 10 : i32
    %scan3A_62 = arith.addi %scan3A_60, %scan3A_61 : i32
    %scan3A_63 = arith.constant 1 : i32
    %scan3A_64 = scf.for %scan3A_222 = %scan3A_60 to %scan3A_62 step %scan3A_63 iter_args(%scan3A_223 = %scan3A_59) -> (i32)  : i32 {
      %dma_start3A = arith.constant 0 : i32
      %dma_start3A_224 = arith.constant 0 : i32
      %dma_start3A_225 = arith.constant 0 : i32
      %dma_start3A_226 = arith.constant 0 : i32
      %dma_start3A_227 = tpu.memref_slice %arg13[%dma_start3A_224, %dma_start3A_225, %dma_start3A_226] : memref<4x128x32xf32, #tpu.memory_space<vmem>> -> memref<1x125x32xf32, #tpu.memory_space<vmem>>
      %dma_start3A_228 = tpu.memref_squeeze %dma_start3A_227 : memref<1x125x32xf32, #tpu.memory_space<vmem>> -> memref<125x32xf32, #tpu.memory_space<vmem>>
      %dma_start3A_229 = arith.constant 0 : i32
      %dma_start3A_230 = tpu.memref_slice %arg11[%dma_start3A, %dma_start3A_229] : memref<80x125xi32, #tpu.memory_space<vmem>> -> memref<1x125xi32, #tpu.memory_space<vmem>>
      %dma_start3A_231 = tpu.memref_squeeze %dma_start3A_230 : memref<1x125xi32, #tpu.memory_space<vmem>> -> memref<125xi32, #tpu.memory_space<vmem>>
      %dma_start3A_232 = arith.constant 0 : i32
      %dma_start3A_233 = arith.constant 0 : i32
      %dma_start3A_234 = tpu.memref_slice %arg7[%dma_start3A_232, %dma_start3A_233] : memref<10240x32xf32, #tpu.memory_space<vmem_shared>> -> memref<10240x32xf32, #tpu.memory_space<vmem_shared>>
      tpu.enqueue_indirect_dma source(%dma_start3A_234 : memref<10240x32xf32, #tpu.memory_space<vmem_shared>>) target(%dma_start3A_228 : memref<125x32xf32, #tpu.memory_space<vmem>>) offsets(%dma_start3A_231 : memref<125xi32, #tpu.memory_space<vmem>>) semaphore(%arg24 : memref<!tpu.dma_semaphore, #tpu.memory_space<semaphore_mem>>)
      %dma_start3A_235 = arith.constant 1 : i32
      %dma_start3A_236 = arith.constant 1 : i32
      %dma_start3A_237 = arith.constant 0 : i32
      %dma_start3A_238 = arith.constant 0 : i32
      %dma_start3A_239 = tpu.memref_slice %arg13[%dma_start3A_236, %dma_start3A_237, %dma_start3A_238] : memref<4x128x32xf32, #tpu.memory_space<vmem>> -> memref<1x125x32xf32, #tpu.memory_space<vmem>>
      %dma_start3A_240 = tpu.memref_squeeze %dma_start3A_239 : memref<1x125x32xf32, #tpu.memory_space<vmem>> -> memref<125x32xf32, #tpu.memory_space<vmem>>
      %dma_start3A_241 = arith.constant 0 : i32
      %dma_start3A_242 = tpu.memref_slice %arg11[%dma_start3A_235, %dma_start3A_241] : memref<80x125xi32, #tpu.memory_space<vmem>> -> memref<1x125xi32, #tpu.memory_space<vmem>>
      %dma_start3A_243 = tpu.memref_squeeze %dma_start3A_242 : memref<1x125xi32, #tpu.memory_space<vmem>> -> memref<125xi32, #tpu.memory_space<vmem>>
      %dma_start3A_244 = arith.constant 0 : i32
      %dma_start3A_245 = arith.constant 0 : i32
      %dma_start3A_246 = tpu.memref_slice %arg7[%dma_start3A_244, %dma_start3A_245] : memref<10240x32xf32, #tpu.memory_space<vmem_shared>> -> memref<10240x32xf32, #tpu.memory_space<vmem_shared>>
      tpu.enqueue_indirect_dma source(%dma_start3A_246 : memref<10240x32xf32, #tpu.memory_space<vmem_shared>>) target(%dma_start3A_240 : memref<125x32xf32, #tpu.memory_space<vmem>>) offsets(%dma_start3A_243 : memref<125xi32, #tpu.memory_space<vmem>>) semaphore(%arg24 : memref<!tpu.dma_semaphore, #tpu.memory_space<semaphore_mem>>)
      %dma_start3A_247 = arith.constant 2 : i32
      %dma_start3A_248 = arith.constant 2 : i32
      %dma_start3A_249 = arith.constant 0 : i32
      %dma_start3A_250 = arith.constant 0 : i32
      %dma_start3A_251 = tpu.memref_slice %arg13[%dma_start3A_248, %dma_start3A_249, %dma_start3A_250] : memref<4x128x32xf32, #tpu.memory_space<vmem>> -> memref<1x125x32xf32, #tpu.memory_space<vmem>>
      %dma_start3A_252 = tpu.memref_squeeze %dma_start3A_251 : memref<1x125x32xf32, #tpu.memory_space<vmem>> -> memref<125x32xf32, #tpu.memory_space<vmem>>
      %dma_start3A_253 = arith.constant 0 : i32
      %dma_start3A_254 = tpu.memref_slice %arg11[%dma_start3A_247, %dma_start3A_253] : memref<80x125xi32, #tpu.memory_space<vmem>> -> memref<1x125xi32, #tpu.memory_space<vmem>>
      %dma_start3A_255 = tpu.memref_squeeze %dma_start3A_254 : memref<1x125xi32, #tpu.memory_space<vmem>> -> memref<125xi32, #tpu.memory_space<vmem>>
      %dma_start3A_256 = arith.constant 0 : i32
      %dma_start3A_257 = arith.constant 0 : i32
      %dma_start3A_258 = tpu.memref_slice %arg7[%dma_start3A_256, %dma_start3A_257] : memref<10240x32xf32, #tpu.memory_space<vmem_shared>> -> memref<10240x32xf32, #tpu.memory_space<vmem_shared>>
      tpu.enqueue_indirect_dma source(%dma_start3A_258 : memref<10240x32xf32, #tpu.memory_space<vmem_shared>>) target(%dma_start3A_252 : memref<125x32xf32, #tpu.memory_space<vmem>>) offsets(%dma_start3A_255 : memref<125xi32, #tpu.memory_space<vmem>>) semaphore(%arg24 : memref<!tpu.dma_semaphore, #tpu.memory_space<semaphore_mem>>)
      %dma_wait3A = arith.constant 0 : i32
      %dma_wait3A_259 = arith.constant 0 : i32
      %dma_wait3A_260 = arith.constant 0 : i32
      %dma_wait3A_261 = arith.constant 0 : i32
      %dma_wait3A_262 = tpu.memref_slice %arg13[%dma_wait3A_259, %dma_wait3A_260, %dma_wait3A_261] : memref<4x128x32xf32, #tpu.memory_space<vmem>> -> memref<1x125x32xf32, #tpu.memory_space<vmem>>
      %dma_wait3A_263 = tpu.memref_squeeze %dma_wait3A_262 : memref<1x125x32xf32, #tpu.memory_space<vmem>> -> memref<125x32xf32, #tpu.memory_space<vmem>>
      %dma_wait3A_264 = arith.constant 0 : i32
      %dma_wait3A_265 = tpu.memref_slice %arg11[%dma_wait3A, %dma_wait3A_264] : memref<80x125xi32, #tpu.memory_space<vmem>> -> memref<1x125xi32, #tpu.memory_space<vmem>>
      %dma_wait3A_266 = tpu.memref_squeeze %dma_wait3A_265 : memref<1x125xi32, #tpu.memory_space<vmem>> -> memref<125xi32, #tpu.memory_space<vmem>>
      %dma_wait3A_267 = arith.constant 0 : i32
      %dma_wait3A_268 = arith.constant 0 : i32
      %dma_wait3A_269 = tpu.memref_slice %arg7[%dma_wait3A_267, %dma_wait3A_268] : memref<10240x32xf32, #tpu.memory_space<vmem_shared>> -> memref<10240x32xf32, #tpu.memory_space<vmem_shared>>
      tpu.wait_indirect_dma semaphore(%arg24 : memref<!tpu.dma_semaphore, #tpu.memory_space<semaphore_mem>>) src(%dma_wait3A_269 : memref<10240x32xf32, #tpu.memory_space<vmem_shared>>) dst(%dma_wait3A_263 : memref<125x32xf32, #tpu.memory_space<vmem>>)
      %dma_start3A_270 = arith.constant 0 : i32
      %dma_start3A_271 = arith.constant 0 : i32
      %dma_start3A_272 = arith.constant 0 : i32
      %dma_start3A_273 = arith.constant 0 : i32
      %dma_start3A_274 = tpu.memref_slice %arg13[%dma_start3A_270, %dma_start3A_272, %dma_start3A_273] : memref<4x128x32xf32, #tpu.memory_space<vmem>> -> memref<1x125x32xf32, #tpu.memory_space<vmem>>
      %dma_start3A_275 = tpu.memref_squeeze %dma_start3A_274 : memref<1x125x32xf32, #tpu.memory_space<vmem>> -> memref<125x32xf32, #tpu.memory_space<vmem>>
      %dma_start3A_276 = arith.constant 0 : i32
      %dma_start3A_277 = tpu.memref_slice %arg12[%dma_start3A_271, %dma_start3A_276] : memref<80x125xi32, #tpu.memory_space<vmem>> -> memref<1x125xi32, #tpu.memory_space<vmem>>
      %dma_start3A_278 = tpu.memref_squeeze %dma_start3A_277 : memref<1x125xi32, #tpu.memory_space<vmem>> -> memref<125xi32, #tpu.memory_space<vmem>>
      %dma_start3A_279 = arith.constant 0 : i32
      %dma_start3A_280 = arith.constant 0 : i32
      %dma_start3A_281 = tpu.memref_slice %arg8[%dma_start3A_279, %dma_start3A_280] : memref<10240x32xf32, #tpu.memory_space<vmem_shared>> -> memref<10240x32xf32, #tpu.memory_space<vmem_shared>>
      tpu.enqueue_indirect_dma source(%dma_start3A_275 : memref<125x32xf32, #tpu.memory_space<vmem>>) target(%dma_start3A_281 : memref<10240x32xf32, #tpu.memory_space<vmem_shared>>) offsets(%dma_start3A_278 : memref<125xi32, #tpu.memory_space<vmem>>) semaphore(%arg25 : memref<!tpu.dma_semaphore, #tpu.memory_space<semaphore_mem>>) {add = true}
      %dma_start3A_282 = arith.constant 3 : i32
      %dma_start3A_283 = arith.constant 3 : i32
      %dma_start3A_284 = arith.constant 0 : i32
      %dma_start3A_285 = arith.constant 0 : i32
      %dma_start3A_286 = tpu.memref_slice %arg13[%dma_start3A_283, %dma_start3A_284, %dma_start3A_285] : memref<4x128x32xf32, #tpu.memory_space<vmem>> -> memref<1x125x32xf32, #tpu.memory_space<vmem>>
      %dma_start3A_287 = tpu.memref_squeeze %dma_start3A_286 : memref<1x125x32xf32, #tpu.memory_space<vmem>> -> memref<125x32xf32, #tpu.memory_space<vmem>>
      %dma_start3A_288 = arith.constant 0 : i32
      %dma_start3A_289 = tpu.memref_slice %arg11[%dma_start3A_282, %dma_start3A_288] : memref<80x125xi32, #tpu.memory_space<vmem>> -> memref<1x125xi32, #tpu.memory_space<vmem>>
      %dma_start3A_290 = tpu.memref_squeeze %dma_start3A_289 : memref<1x125xi32, #tpu.memory_space<vmem>> -> memref<125xi32, #tpu.memory_space<vmem>>
      %dma_start3A_291 = arith.constant 0 : i32
      %dma_start3A_292 = arith.constant 0 : i32
      %dma_start3A_293 = tpu.memref_slice %arg7[%dma_start3A_291, %dma_start3A_292] : memref<10240x32xf32, #tpu.memory_space<vmem_shared>> -> memref<10240x32xf32, #tpu.memory_space<vmem_shared>>
      tpu.enqueue_indirect_dma source(%dma_start3A_293 : memref<10240x32xf32, #tpu.memory_space<vmem_shared>>) target(%dma_start3A_287 : memref<125x32xf32, #tpu.memory_space<vmem>>) offsets(%dma_start3A_290 : memref<125xi32, #tpu.memory_space<vmem>>) semaphore(%arg24 : memref<!tpu.dma_semaphore, #tpu.memory_space<semaphore_mem>>)
      %scan3A_294 = arith.constant 0 : i32
      %scan3A_295 = arith.constant 1 : i32
      %scan3A_296 = arith.constant 76 : i32
      %scan3A_297 = arith.addi %scan3A_295, %scan3A_296 : i32
      %scan3A_298 = arith.constant 1 : i32
      %scan3A_299 = scf.for %scan3A_350 = %scan3A_295 to %scan3A_297 step %scan3A_298 iter_args(%scan3A_351 = %scan3A_294) -> (i32)  : i32 {
        %dma_wait3A_352 = arith.constant 0 : i32
        %dma_wait3A_353 = arith.constant 0 : i32
        %dma_wait3A_354 = arith.constant 0 : i32
        %dma_wait3A_355 = arith.constant 0 : i32
        %dma_wait3A_356 = tpu.memref_slice %arg13[%dma_wait3A_353, %dma_wait3A_354, %dma_wait3A_355] : memref<4x128x32xf32, #tpu.memory_space<vmem>> -> memref<1x125x32xf32, #tpu.memory_space<vmem>>
        %dma_wait3A_357 = tpu.memref_squeeze %dma_wait3A_356 : memref<1x125x32xf32, #tpu.memory_space<vmem>> -> memref<125x32xf32, #tpu.memory_space<vmem>>
        %dma_wait3A_358 = arith.constant 0 : i32
        %dma_wait3A_359 = tpu.memref_slice %arg11[%dma_wait3A_352, %dma_wait3A_358] : memref<80x125xi32, #tpu.memory_space<vmem>> -> memref<1x125xi32, #tpu.memory_space<vmem>>
        %dma_wait3A_360 = tpu.memref_squeeze %dma_wait3A_359 : memref<1x125xi32, #tpu.memory_space<vmem>> -> memref<125xi32, #tpu.memory_space<vmem>>
        %dma_wait3A_361 = arith.constant 0 : i32
        %dma_wait3A_362 = arith.constant 0 : i32
        %dma_wait3A_363 = tpu.memref_slice %arg7[%dma_wait3A_361, %dma_wait3A_362] : memref<10240x32xf32, #tpu.memory_space<vmem_shared>> -> memref<10240x32xf32, #tpu.memory_space<vmem_shared>>
        tpu.wait_indirect_dma semaphore(%arg24 : memref<!tpu.dma_semaphore, #tpu.memory_space<semaphore_mem>>) src(%dma_wait3A_363 : memref<10240x32xf32, #tpu.memory_space<vmem_shared>>) dst(%dma_wait3A_357 : memref<125x32xf32, #tpu.memory_space<vmem>>)
        %jit3A = arith.constant 4 : i32
        %eq3A_364 = arith.constant 0 : i32
        %eq3A_365 = arith.cmpi eq, %jit3A, %eq3A_364 : i32
        %jit3A_366 = arith.constant 1 : i32
        %select_n3A = arith.select %eq3A_365, %jit3A_366, %jit3A : i32
        %rem3A = arith.remsi %scan3A_350, %select_n3A : i32
        %ne3A = arith.constant 0 : i32
        %ne3A_367 = arith.cmpi ne, %rem3A, %ne3A : i32
        %lt3A_368 = arith.constant 0 : i32
        %lt3A_369 = arith.cmpi slt, %rem3A, %lt3A_368 : i32
        %lt3A_370 = arith.constant 0 : i32
        %lt3A_371 = arith.cmpi slt, %select_n3A, %lt3A_370 : i32
        %ne3A_372 = arith.xori %lt3A_369, %lt3A_371 : i1
        %and3A = arith.andi %ne3A_372, %ne3A_367 : i1
        %add3A_373 = arith.addi %rem3A, %select_n3A : i32
        %select_n3A_374 = arith.select %and3A, %add3A_373, %rem3A : i32
        %dma_start3A_375 = arith.constant 0 : i32
        %dma_start3A_376 = arith.constant 0 : i32
        %dma_start3A_377 = tpu.memref_slice %arg13[%select_n3A_374, %dma_start3A_375, %dma_start3A_376] : memref<4x128x32xf32, #tpu.memory_space<vmem>> -> memref<1x125x32xf32, #tpu.memory_space<vmem>>
        %dma_start3A_378 = tpu.memref_squeeze %dma_start3A_377 : memref<1x125x32xf32, #tpu.memory_space<vmem>> -> memref<125x32xf32, #tpu.memory_space<vmem>>
        %dma_start3A_379 = arith.constant 0 : i32
        %dma_start3A_380 = tpu.memref_slice %arg12[%scan3A_350, %dma_start3A_379] : memref<80x125xi32, #tpu.memory_space<vmem>> -> memref<1x125xi32, #tpu.memory_space<vmem>>
        %dma_start3A_381 = tpu.memref_squeeze %dma_start3A_380 : memref<1x125xi32, #tpu.memory_space<vmem>> -> memref<125xi32, #tpu.memory_space<vmem>>
        %dma_start3A_382 = arith.constant 0 : i32
        %dma_start3A_383 = arith.constant 0 : i32
        %dma_start3A_384 = tpu.memref_slice %arg8[%dma_start3A_382, %dma_start3A_383] : memref<10240x32xf32, #tpu.memory_space<vmem_shared>> -> memref<10240x32xf32, #tpu.memory_space<vmem_shared>>
        tpu.enqueue_indirect_dma source(%dma_start3A_378 : memref<125x32xf32, #tpu.memory_space<vmem>>) target(%dma_start3A_384 : memref<10240x32xf32, #tpu.memory_space<vmem_shared>>) offsets(%dma_start3A_381 : memref<125xi32, #tpu.memory_space<vmem>>) semaphore(%arg25 : memref<!tpu.dma_semaphore, #tpu.memory_space<semaphore_mem>>) {add = true}
        %dma_wait3A_385 = arith.constant 0 : i32
        %dma_wait3A_386 = arith.constant 0 : i32
        %dma_wait3A_387 = arith.constant 0 : i32
        %dma_wait3A_388 = arith.constant 0 : i32
        %dma_wait3A_389 = tpu.memref_slice %arg13[%dma_wait3A_385, %dma_wait3A_387, %dma_wait3A_388] : memref<4x128x32xf32, #tpu.memory_space<vmem>> -> memref<1x125x32xf32, #tpu.memory_space<vmem>>
        %dma_wait3A_390 = tpu.memref_squeeze %dma_wait3A_389 : memref<1x125x32xf32, #tpu.memory_space<vmem>> -> memref<125x32xf32, #tpu.memory_space<vmem>>
        %dma_wait3A_391 = arith.constant 0 : i32
        %dma_wait3A_392 = tpu.memref_slice %arg12[%dma_wait3A_386, %dma_wait3A_391] : memref<80x125xi32, #tpu.memory_space<vmem>> -> memref<1x125xi32, #tpu.memory_space<vmem>>
        %dma_wait3A_393 = tpu.memref_squeeze %dma_wait3A_392 : memref<1x125xi32, #tpu.memory_space<vmem>> -> memref<125xi32, #tpu.memory_space<vmem>>
        %dma_wait3A_394 = arith.constant 0 : i32
        %dma_wait3A_395 = arith.constant 0 : i32
        %dma_wait3A_396 = tpu.memref_slice %arg8[%dma_wait3A_394, %dma_wait3A_395] : memref<10240x32xf32, #tpu.memory_space<vmem_shared>> -> memref<10240x32xf32, #tpu.memory_space<vmem_shared>>
        tpu.wait_indirect_dma semaphore(%arg25 : memref<!tpu.dma_semaphore, #tpu.memory_space<semaphore_mem>>) src(%dma_wait3A_390 : memref<125x32xf32, #tpu.memory_space<vmem>>) dst(%dma_wait3A_396 : memref<10240x32xf32, #tpu.memory_space<vmem_shared>>)
        %add3A_397 = arith.constant 3 : i32
        %add3A_398 = arith.addi %scan3A_350, %add3A_397 : i32
        %add3A_399 = arith.constant 3 : i32
        %add3A_400 = arith.addi %scan3A_350, %add3A_399 : i32
        %jit3A_401 = arith.constant 4 : i32
        %eq3A_402 = arith.constant 0 : i32
        %eq3A_403 = arith.cmpi eq, %jit3A_401, %eq3A_402 : i32
        %jit3A_404 = arith.constant 1 : i32
        %select_n3A_405 = arith.select %eq3A_403, %jit3A_404, %jit3A_401 : i32
        %rem3A_406 = arith.remsi %add3A_400, %select_n3A_405 : i32
        %ne3A_407 = arith.constant 0 : i32
        %ne3A_408 = arith.cmpi ne, %rem3A_406, %ne3A_407 : i32
        %lt3A_409 = arith.constant 0 : i32
        %lt3A_410 = arith.cmpi slt, %rem3A_406, %lt3A_409 : i32
        %lt3A_411 = arith.constant 0 : i32
        %lt3A_412 = arith.cmpi slt, %select_n3A_405, %lt3A_411 : i32
        %ne3A_413 = arith.xori %lt3A_410, %lt3A_412 : i1
        %and3A_414 = arith.andi %ne3A_413, %ne3A_408 : i1
        %add3A_415 = arith.addi %rem3A_406, %select_n3A_405 : i32
        %select_n3A_416 = arith.select %and3A_414, %add3A_415, %rem3A_406 : i32
        %dma_start3A_417 = arith.constant 0 : i32
        %dma_start3A_418 = arith.constant 0 : i32
        %dma_start3A_419 = tpu.memref_slice %arg13[%select_n3A_416, %dma_start3A_417, %dma_start3A_418] : memref<4x128x32xf32, #tpu.memory_space<vmem>> -> memref<1x125x32xf32, #tpu.memory_space<vmem>>
        %dma_start3A_420 = tpu.memref_squeeze %dma_start3A_419 : memref<1x125x32xf32, #tpu.memory_space<vmem>> -> memref<125x32xf32, #tpu.memory_space<vmem>>
        %dma_start3A_421 = arith.constant 0 : i32
        %dma_start3A_422 = tpu.memref_slice %arg11[%add3A_398, %dma_start3A_421] : memref<80x125xi32, #tpu.memory_space<vmem>> -> memref<1x125xi32, #tpu.memory_space<vmem>>
        %dma_start3A_423 = tpu.memref_squeeze %dma_start3A_422 : memref<1x125xi32, #tpu.memory_space<vmem>> -> memref<125xi32, #tpu.memory_space<vmem>>
        %dma_start3A_424 = arith.constant 0 : i32
        %dma_start3A_425 = arith.constant 0 : i32
        %dma_start3A_426 = tpu.memref_slice %arg7[%dma_start3A_424, %dma_start3A_425] : memref<10240x32xf32, #tpu.memory_space<vmem_shared>> -> memref<10240x32xf32, #tpu.memory_space<vmem_shared>>
        tpu.enqueue_indirect_dma source(%dma_start3A_426 : memref<10240x32xf32, #tpu.memory_space<vmem_shared>>) target(%dma_start3A_420 : memref<125x32xf32, #tpu.memory_space<vmem>>) offsets(%dma_start3A_423 : memref<125xi32, #tpu.memory_space<vmem>>) semaphore(%arg24 : memref<!tpu.dma_semaphore, #tpu.memory_space<semaphore_mem>>)
        %scan3A_427 = arith.constant 0 : i32
        scf.yield %scan3A_427 : i32
      }
      %scan3A_300 = arith.constant 76 : i32
      %scan3A_301 = arith.constant 0 : i32
      %scan3A_302 = arith.constant 77 : i32
      %scan3A_303 = arith.constant 3 : i32
      %scan3A_304 = arith.addi %scan3A_302, %scan3A_303 : i32
      %scan3A_305 = arith.constant 1 : i32
      %scan3A_306 = scf.for %scan3A_350 = %scan3A_302 to %scan3A_304 step %scan3A_305 iter_args(%scan3A_351 = %scan3A_301) -> (i32)  : i32 {
        %dma_wait3A_352 = arith.constant 0 : i32
        %dma_wait3A_353 = arith.constant 0 : i32
        %dma_wait3A_354 = arith.constant 0 : i32
        %dma_wait3A_355 = arith.constant 0 : i32
        %dma_wait3A_356 = tpu.memref_slice %arg13[%dma_wait3A_353, %dma_wait3A_354, %dma_wait3A_355] : memref<4x128x32xf32, #tpu.memory_space<vmem>> -> memref<1x125x32xf32, #tpu.memory_space<vmem>>
        %dma_wait3A_357 = tpu.memref_squeeze %dma_wait3A_356 : memref<1x125x32xf32, #tpu.memory_space<vmem>> -> memref<125x32xf32, #tpu.memory_space<vmem>>
        %dma_wait3A_358 = arith.constant 0 : i32
        %dma_wait3A_359 = tpu.memref_slice %arg11[%dma_wait3A_352, %dma_wait3A_358] : memref<80x125xi32, #tpu.memory_space<vmem>> -> memref<1x125xi32, #tpu.memory_space<vmem>>
        %dma_wait3A_360 = tpu.memref_squeeze %dma_wait3A_359 : memref<1x125xi32, #tpu.memory_space<vmem>> -> memref<125xi32, #tpu.memory_space<vmem>>
        %dma_wait3A_361 = arith.constant 0 : i32
        %dma_wait3A_362 = arith.constant 0 : i32
        %dma_wait3A_363 = tpu.memref_slice %arg7[%dma_wait3A_361, %dma_wait3A_362] : memref<10240x32xf32, #tpu.memory_space<vmem_shared>> -> memref<10240x32xf32, #tpu.memory_space<vmem_shared>>
        tpu.wait_indirect_dma semaphore(%arg24 : memref<!tpu.dma_semaphore, #tpu.memory_space<semaphore_mem>>) src(%dma_wait3A_363 : memref<10240x32xf32, #tpu.memory_space<vmem_shared>>) dst(%dma_wait3A_357 : memref<125x32xf32, #tpu.memory_space<vmem>>)
        %jit3A = arith.constant 4 : i32
        %eq3A_364 = arith.constant 0 : i32
        %eq3A_365 = arith.cmpi eq, %jit3A, %eq3A_364 : i32
        %jit3A_366 = arith.constant 1 : i32
        %select_n3A = arith.select %eq3A_365, %jit3A_366, %jit3A : i32
        %rem3A = arith.remsi %scan3A_350, %select_n3A : i32
        %ne3A = arith.constant 0 : i32
        %ne3A_367 = arith.cmpi ne, %rem3A, %ne3A : i32
        %lt3A_368 = arith.constant 0 : i32
        %lt3A_369 = arith.cmpi slt, %rem3A, %lt3A_368 : i32
        %lt3A_370 = arith.constant 0 : i32
        %lt3A_371 = arith.cmpi slt, %select_n3A, %lt3A_370 : i32
        %ne3A_372 = arith.xori %lt3A_369, %lt3A_371 : i1
        %and3A = arith.andi %ne3A_372, %ne3A_367 : i1
        %add3A_373 = arith.addi %rem3A, %select_n3A : i32
        %select_n3A_374 = arith.select %and3A, %add3A_373, %rem3A : i32
        %dma_start3A_375 = arith.constant 0 : i32
        %dma_start3A_376 = arith.constant 0 : i32
        %dma_start3A_377 = tpu.memref_slice %arg13[%select_n3A_374, %dma_start3A_375, %dma_start3A_376] : memref<4x128x32xf32, #tpu.memory_space<vmem>> -> memref<1x125x32xf32, #tpu.memory_space<vmem>>
        %dma_start3A_378 = tpu.memref_squeeze %dma_start3A_377 : memref<1x125x32xf32, #tpu.memory_space<vmem>> -> memref<125x32xf32, #tpu.memory_space<vmem>>
        %dma_start3A_379 = arith.constant 0 : i32
        %dma_start3A_380 = tpu.memref_slice %arg12[%scan3A_350, %dma_start3A_379] : memref<80x125xi32, #tpu.memory_space<vmem>> -> memref<1x125xi32, #tpu.memory_space<vmem>>
        %dma_start3A_381 = tpu.memref_squeeze %dma_start3A_380 : memref<1x125xi32, #tpu.memory_space<vmem>> -> memref<125xi32, #tpu.memory_space<vmem>>
        %dma_start3A_382 = arith.constant 0 : i32
        %dma_start3A_383 = arith.constant 0 : i32
        %dma_start3A_384 = tpu.memref_slice %arg8[%dma_start3A_382, %dma_start3A_383] : memref<10240x32xf32, #tpu.memory_space<vmem_shared>> -> memref<10240x32xf32, #tpu.memory_space<vmem_shared>>
        tpu.enqueue_indirect_dma source(%dma_start3A_378 : memref<125x32xf32, #tpu.memory_space<vmem>>) target(%dma_start3A_384 : memref<10240x32xf32, #tpu.memory_space<vmem_shared>>) offsets(%dma_start3A_381 : memref<125xi32, #tpu.memory_space<vmem>>) semaphore(%arg25 : memref<!tpu.dma_semaphore, #tpu.memory_space<semaphore_mem>>) {add = true}
        %dma_wait3A_385 = arith.constant 0 : i32
        %dma_wait3A_386 = arith.constant 0 : i32
        %dma_wait3A_387 = arith.constant 0 : i32
        %dma_wait3A_388 = arith.constant 0 : i32
        %dma_wait3A_389 = tpu.memref_slice %arg13[%dma_wait3A_385, %dma_wait3A_387, %dma_wait3A_388] : memref<4x128x32xf32, #tpu.memory_space<vmem>> -> memref<1x125x32xf32, #tpu.memory_space<vmem>>
        %dma_wait3A_390 = tpu.memref_squeeze %dma_wait3A_389 : memref<1x125x32xf32, #tpu.memory_space<vmem>> -> memref<125x32xf32, #tpu.memory_space<vmem>>
        %dma_wait3A_391 = arith.constant 0 : i32
        %dma_wait3A_392 = tpu.memref_slice %arg12[%dma_wait3A_386, %dma_wait3A_391] : memref<80x125xi32, #tpu.memory_space<vmem>> -> memref<1x125xi32, #tpu.memory_space<vmem>>
        %dma_wait3A_393 = tpu.memref_squeeze %dma_wait3A_392 : memref<1x125xi32, #tpu.memory_space<vmem>> -> memref<125xi32, #tpu.memory_space<vmem>>
        %dma_wait3A_394 = arith.constant 0 : i32
        %dma_wait3A_395 = arith.constant 0 : i32
        %dma_wait3A_396 = tpu.memref_slice %arg8[%dma_wait3A_394, %dma_wait3A_395] : memref<10240x32xf32, #tpu.memory_space<vmem_shared>> -> memref<10240x32xf32, #tpu.memory_space<vmem_shared>>
        tpu.wait_indirect_dma semaphore(%arg25 : memref<!tpu.dma_semaphore, #tpu.memory_space<semaphore_mem>>) src(%dma_wait3A_390 : memref<125x32xf32, #tpu.memory_space<vmem>>) dst(%dma_wait3A_396 : memref<10240x32xf32, #tpu.memory_space<vmem_shared>>)
        %scan3A_397 = arith.constant 0 : i32
        scf.yield %scan3A_397 : i32
      }
      %scan3A_307 = arith.constant 3 : i32
      %dma_wait3A_308 = arith.constant 0 : i32
      %dma_wait3A_309 = arith.constant 0 : i32
      %dma_wait3A_310 = arith.constant 0 : i32
      %dma_wait3A_311 = arith.constant 0 : i32
      %dma_wait3A_312 = tpu.memref_slice %arg13[%dma_wait3A_308, %dma_wait3A_310, %dma_wait3A_311] : memref<4x128x32xf32, #tpu.memory_space<vmem>> -> memref<1x125x32xf32, #tpu.memory_space<vmem>>
      %dma_wait3A_313 = tpu.memref_squeeze %dma_wait3A_312 : memref<1x125x32xf32, #tpu.memory_space<vmem>> -> memref<125x32xf32, #tpu.memory_space<vmem>>
      %dma_wait3A_314 = arith.constant 0 : i32
      %dma_wait3A_315 = tpu.memref_slice %arg12[%dma_wait3A_309, %dma_wait3A_314] : memref<80x125xi32, #tpu.memory_space<vmem>> -> memref<1x125xi32, #tpu.memory_space<vmem>>
      %dma_wait3A_316 = tpu.memref_squeeze %dma_wait3A_315 : memref<1x125xi32, #tpu.memory_space<vmem>> -> memref<125xi32, #tpu.memory_space<vmem>>
      %dma_wait3A_317 = arith.constant 0 : i32
      %dma_wait3A_318 = arith.constant 0 : i32
      %dma_wait3A_319 = tpu.memref_slice %arg8[%dma_wait3A_317, %dma_wait3A_318] : memref<10240x32xf32, #tpu.memory_space<vmem_shared>> -> memref<10240x32xf32, #tpu.memory_space<vmem_shared>>
      tpu.wait_indirect_dma semaphore(%arg25 : memref<!tpu.dma_semaphore, #tpu.memory_space<semaphore_mem>>) src(%dma_wait3A_313 : memref<125x32xf32, #tpu.memory_space<vmem>>) dst(%dma_wait3A_319 : memref<10240x32xf32, #tpu.memory_space<vmem_shared>>)
      %barrier3A_320 = arith.constant 0 : index
      tpu.barrier barrier_id(%barrier3A_320)
      %dma_start3A_321 = arith.constant 0 : i32
      %dma_start3A_322 = arith.constant 0 : i32
      %dma_start3A_323 = arith.constant 0 : i32
      %dma_start3A_324 = tpu.memref_slice %arg13[%dma_start3A_321, %dma_start3A_322, %dma_start3A_323] : memref<4x128x32xf32, #tpu.memory_space<vmem>> -> memref<1x128x32xf32, #tpu.memory_space<vmem>>
      %dma_start3A_325 = tpu.memref_squeeze %dma_start3A_324 : memref<1x128x32xf32, #tpu.memory_space<vmem>> -> memref<128x32xf32, #tpu.memory_space<vmem>>
      %dma_start3A_326 = arith.constant 0 : i32
      %dma_start3A_327 = tpu.memref_slice %arg8[%mul3A_0, %dma_start3A_326] : memref<10240x32xf32, #tpu.memory_space<vmem_shared>> -> memref<128x32xf32, #tpu.memory_space<vmem_shared>>
      %dma_start3A_328 = arith.constant 0 : i32
      %dma_start3A_329 = arith.constant 0 : i32
      %dma_start3A_330 = tpu.memref_slice %arg13[%dma_start3A_321, %dma_start3A_328, %dma_start3A_329] : memref<4x128x32xf32, #tpu.memory_space<vmem>> -> memref<1x128x32xf32, #tpu.memory_space<vmem>>
      %dma_start3A_331 = tpu.memref_squeeze %dma_start3A_330 : memref<1x128x32xf32, #tpu.memory_space<vmem>> -> memref<128x32xf32, #tpu.memory_space<vmem>>
      %dma_start3A_332 = arith.constant 0 : i32
      %dma_start3A_333 = tpu.memref_slice %arg8[%mul3A_0, %dma_start3A_332] : memref<10240x32xf32, #tpu.memory_space<vmem_shared>> -> memref<128x32xf32, #tpu.memory_space<vmem_shared>>
      tpu.enqueue_dma source(%dma_start3A_333 : memref<128x32xf32, #tpu.memory_space<vmem_shared>>) target(%dma_start3A_331 : memref<128x32xf32, #tpu.memory_space<vmem>>) target_semaphore(%arg24 : memref<!tpu.dma_semaphore, #tpu.memory_space<semaphore_mem>>)
      %scan3A_334 = arith.constant 0 : i32
      %scan3A_335 = arith.constant 0 : i32
      %scan3A_336 = arith.constant 5 : i32
      %scan3A_337 = arith.addi %scan3A_335, %scan3A_336 : i32
      %scan3A_338 = arith.constant 1 : i32
      %scan3A_339 = scf.for %scan3A_350 = %scan3A_335 to %scan3A_337 step %scan3A_338 iter_args(%scan3A_351 = %scan3A_334) -> (i32)  : i32 {
        %mul3A_352 = arith.constant 128 : i32
        %mul3A_353 = arith.muli %scan3A_350, %mul3A_352 : i32
        %dma_wait3A_354 = arith.constant 0 : i32
        %dma_wait3A_355 = arith.constant 0 : i32
        %dma_wait3A_356 = arith.constant 0 : i32
        %dma_wait3A_357 = tpu.memref_slice %arg13[%dma_wait3A_354, %dma_wait3A_355, %dma_wait3A_356] : memref<4x128x32xf32, #tpu.memory_space<vmem>> -> memref<1x128x32xf32, #tpu.memory_space<vmem>>
        %dma_wait3A_358 = tpu.memref_squeeze %dma_wait3A_357 : memref<1x128x32xf32, #tpu.memory_space<vmem>> -> memref<128x32xf32, #tpu.memory_space<vmem>>
        %dma_wait3A_359 = arith.constant 0 : i32
        %dma_wait3A_360 = tpu.memref_slice %arg8[%mul3A_0, %dma_wait3A_359] : memref<10240x32xf32, #tpu.memory_space<vmem_shared>> -> memref<128x32xf32, #tpu.memory_space<vmem_shared>>
        %dma_wait3A_361 = arith.constant 0 : i32
        %dma_wait3A_362 = arith.constant 0 : i32
        %dma_wait3A_363 = tpu.memref_slice %arg13[%dma_wait3A_354, %dma_wait3A_361, %dma_wait3A_362] : memref<4x128x32xf32, #tpu.memory_space<vmem>> -> memref<1x128x32xf32, #tpu.memory_space<vmem>>
        %dma_wait3A_364 = tpu.memref_squeeze %dma_wait3A_363 : memref<1x128x32xf32, #tpu.memory_space<vmem>> -> memref<128x32xf32, #tpu.memory_space<vmem>>
        %dma_wait3A_365 = arith.constant 0 : i32
        %dma_wait3A_366 = tpu.memref_slice %arg8[%mul3A_0, %dma_wait3A_365] : memref<10240x32xf32, #tpu.memory_space<vmem_shared>> -> memref<128x32xf32, #tpu.memory_space<vmem_shared>>
        tpu.wait_dma2 semaphore(%arg24 : memref<!tpu.dma_semaphore, #tpu.memory_space<semaphore_mem>>) src(%dma_wait3A_366 : memref<128x32xf32, #tpu.memory_space<vmem_shared>>) dst(%dma_wait3A_364 : memref<128x32xf32, #tpu.memory_space<vmem>>)
        %add3A_367 = arith.constant 1 : i32
        %add3A_368 = arith.addi %scan3A_350, %add3A_367 : i32
        %lt3A_369 = arith.constant 5 : i32
        %lt3A_370 = arith.cmpi slt, %add3A_368, %lt3A_369 : i32
        %convert_element_type3A_371 = arith.extui %lt3A_370 : i1 to i32
        %cond3A_372 = arith.constant 0 : i32
        %cond3A_373 = arith.cmpi ne, %convert_element_type3A_371, %cond3A_372 : i32
        scf.if %cond3A_373 {
          %add3A_417 = arith.addi %mul3A_0, %mul3A_353 : i32
          %add3A_418 = arith.constant 128 : i32
          %add3A_419 = arith.addi %add3A_417, %add3A_418 : i32
          %add3A_420 = arith.constant 1 : i32
          %add3A_421 = arith.addi %scan3A_350, %add3A_420 : i32
          %jit3A = arith.constant 4 : i32
          %eq3A_422 = arith.constant 0 : i32
          %eq3A_423 = arith.cmpi eq, %jit3A, %eq3A_422 : i32
          %jit3A_424 = arith.constant 1 : i32
          %select_n3A = arith.select %eq3A_423, %jit3A_424, %jit3A : i32
          %rem3A = arith.remsi %add3A_421, %select_n3A : i32
          %ne3A = arith.constant 0 : i32
          %ne3A_425 = arith.cmpi ne, %rem3A, %ne3A : i32
          %lt3A_426 = arith.constant 0 : i32
          %lt3A_427 = arith.cmpi slt, %rem3A, %lt3A_426 : i32
          %lt3A_428 = arith.constant 0 : i32
          %lt3A_429 = arith.cmpi slt, %select_n3A, %lt3A_428 : i32
          %ne3A_430 = arith.xori %lt3A_427, %lt3A_429 : i1
          %and3A = arith.andi %ne3A_430, %ne3A_425 : i1
          %add3A_431 = arith.addi %rem3A, %select_n3A : i32
          %select_n3A_432 = arith.select %and3A, %add3A_431, %rem3A : i32
          %dma_start3A_433 = arith.constant 0 : i32
          %dma_start3A_434 = arith.constant 0 : i32
          %dma_start3A_435 = tpu.memref_slice %arg13[%select_n3A_432, %dma_start3A_433, %dma_start3A_434] : memref<4x128x32xf32, #tpu.memory_space<vmem>> -> memref<1x128x32xf32, #tpu.memory_space<vmem>>
          %dma_start3A_436 = tpu.memref_squeeze %dma_start3A_435 : memref<1x128x32xf32, #tpu.memory_space<vmem>> -> memref<128x32xf32, #tpu.memory_space<vmem>>
          %dma_start3A_437 = arith.constant 0 : i32
          %dma_start3A_438 = tpu.memref_slice %arg8[%add3A_419, %dma_start3A_437] : memref<10240x32xf32, #tpu.memory_space<vmem_shared>> -> memref<128x32xf32, #tpu.memory_space<vmem_shared>>
          %dma_start3A_439 = arith.constant 0 : i32
          %dma_start3A_440 = arith.constant 0 : i32
          %dma_start3A_441 = tpu.memref_slice %arg13[%select_n3A_432, %dma_start3A_439, %dma_start3A_440] : memref<4x128x32xf32, #tpu.memory_space<vmem>> -> memref<1x128x32xf32, #tpu.memory_space<vmem>>
          %dma_start3A_442 = tpu.memref_squeeze %dma_start3A_441 : memref<1x128x32xf32, #tpu.memory_space<vmem>> -> memref<128x32xf32, #tpu.memory_space<vmem>>
          %dma_start3A_443 = arith.constant 0 : i32
          %dma_start3A_444 = tpu.memref_slice %arg8[%add3A_419, %dma_start3A_443] : memref<10240x32xf32, #tpu.memory_space<vmem_shared>> -> memref<128x32xf32, #tpu.memory_space<vmem_shared>>
          tpu.enqueue_dma source(%dma_start3A_444 : memref<128x32xf32, #tpu.memory_space<vmem_shared>>) target(%dma_start3A_442 : memref<128x32xf32, #tpu.memory_space<vmem>>) target_semaphore(%arg24 : memref<!tpu.dma_semaphore, #tpu.memory_space<semaphore_mem>>)
        } else {
        }
        %add3A_374 = arith.addi %mul3A_0, %mul3A_353 : i32
        %dma_start3A_375 = arith.constant 0 : i32
        %dma_start3A_376 = tpu.memref_slice %arg8[%add3A_374, %dma_start3A_375] : memref<10240x32xf32, #tpu.memory_space<vmem_shared>> -> memref<32x32xf32, #tpu.memory_space<vmem_shared>>
        %dma_start3A_377 = arith.constant 0 : i32
        %dma_start3A_378 = tpu.memref_slice %arg8[%add3A_374, %dma_start3A_377] : memref<10240x32xf32, #tpu.memory_space<vmem_shared>> -> memref<32x32xf32, #tpu.memory_space<vmem_shared>>
        tpu.enqueue_dma source(%arg14 : memref<32x32xf32, #tpu.memory_space<vmem>>) target(%dma_start3A_378 : memref<32x32xf32, #tpu.memory_space<vmem_shared>>) target_semaphore(%arg25 : memref<!tpu.dma_semaphore, #tpu.memory_space<semaphore_mem>>)
        %add3A_379 = arith.addi %mul3A_0, %mul3A_353 : i32
        %add3A_380 = arith.constant 32 : i32
        %add3A_381 = arith.addi %add3A_379, %add3A_380 : i32
        %dma_start3A_382 = arith.constant 0 : i32
        %dma_start3A_383 = tpu.memref_slice %arg8[%add3A_381, %dma_start3A_382] : memref<10240x32xf32, #tpu.memory_space<vmem_shared>> -> memref<32x32xf32, #tpu.memory_space<vmem_shared>>
        %dma_start3A_384 = arith.constant 0 : i32
        %dma_start3A_385 = tpu.memref_slice %arg8[%add3A_381, %dma_start3A_384] : memref<10240x32xf32, #tpu.memory_space<vmem_shared>> -> memref<32x32xf32, #tpu.memory_space<vmem_shared>>
        tpu.enqueue_dma source(%arg14 : memref<32x32xf32, #tpu.memory_space<vmem>>) target(%dma_start3A_385 : memref<32x32xf32, #tpu.memory_space<vmem_shared>>) target_semaphore(%arg25 : memref<!tpu.dma_semaphore, #tpu.memory_space<semaphore_mem>>)
        %add3A_386 = arith.addi %mul3A_0, %mul3A_353 : i32
        %add3A_387 = arith.constant 64 : i32
        %add3A_388 = arith.addi %add3A_386, %add3A_387 : i32
        %dma_start3A_389 = arith.constant 0 : i32
        %dma_start3A_390 = tpu.memref_slice %arg8[%add3A_388, %dma_start3A_389] : memref<10240x32xf32, #tpu.memory_space<vmem_shared>> -> memref<32x32xf32, #tpu.memory_space<vmem_shared>>
        %dma_start3A_391 = arith.constant 0 : i32
        %dma_start3A_392 = tpu.memref_slice %arg8[%add3A_388, %dma_start3A_391] : memref<10240x32xf32, #tpu.memory_space<vmem_shared>> -> memref<32x32xf32, #tpu.memory_space<vmem_shared>>
        tpu.enqueue_dma source(%arg14 : memref<32x32xf32, #tpu.memory_space<vmem>>) target(%dma_start3A_392 : memref<32x32xf32, #tpu.memory_space<vmem_shared>>) target_semaphore(%arg25 : memref<!tpu.dma_semaphore, #tpu.memory_space<semaphore_mem>>)
        %add3A_393 = arith.addi %mul3A_0, %mul3A_353 : i32
        %add3A_394 = arith.constant 96 : i32
        %add3A_395 = arith.addi %add3A_393, %add3A_394 : i32
        %dma_start3A_396 = arith.constant 0 : i32
        %dma_start3A_397 = tpu.memref_slice %arg8[%add3A_395, %dma_start3A_396] : memref<10240x32xf32, #tpu.memory_space<vmem_shared>> -> memref<32x32xf32, #tpu.memory_space<vmem_shared>>
        %dma_start3A_398 = arith.constant 0 : i32
        %dma_start3A_399 = tpu.memref_slice %arg8[%add3A_395, %dma_start3A_398] : memref<10240x32xf32, #tpu.memory_space<vmem_shared>> -> memref<32x32xf32, #tpu.memory_space<vmem_shared>>
        tpu.enqueue_dma source(%arg14 : memref<32x32xf32, #tpu.memory_space<vmem>>) target(%dma_start3A_399 : memref<32x32xf32, #tpu.memory_space<vmem_shared>>) target_semaphore(%arg25 : memref<!tpu.dma_semaphore, #tpu.memory_space<semaphore_mem>>)
        %scan3A_400 = arith.constant 0 : i32
        %scan3A_401 = arith.constant 0 : i32
        %scan3A_402 = arith.constant 128 : i32
        %scan3A_403 = arith.addi %scan3A_401, %scan3A_402 : i32
        %scan3A_404 = arith.constant 1 : i32
        %scan3A_405 = scf.for %scan3A_417 = %scan3A_401 to %scan3A_403 step %scan3A_404 iter_args(%scan3A_418 = %scan3A_400) -> (i32)  : i32 {
          %add3A_419 = arith.addi %mul3A_353, %scan3A_417 : i32
          %get3A_420 = arith.index_cast %add3A_419 : i32 to index
          %get3A_421 = tpu.vector_load %arg18[%get3A_420] {strides = array<i32>} : memref<656xf32, #tpu.memory_space<vmem>>, vector<16xf32>,
          %get3A_422 = vector.shape_cast %get3A_421 : vector<16xf32> to vector<16xf32>
          %slice3A = vector.extract_strided_slice %get3A_422 {offsets = [0], sizes = [1], strides = [1]} : vector<16xf32> to vector<1xf32>
          %squeeze3A = vector.extract %slice3A[0] : f32 from vector<1xf32>
          %jit3A = arith.constant 4 : i32
          %eq3A_423 = arith.constant 0 : i32
          %eq3A_424 = arith.cmpi eq, %jit3A, %eq3A_423 : i32
          %jit3A_425 = arith.constant 1 : i32
          %select_n3A = arith.select %eq3A_424, %jit3A_425, %jit3A : i32
          %rem3A = arith.remsi %scan3A_350, %select_n3A : i32
          %ne3A = arith.constant 0 : i32
          %ne3A_426 = arith.cmpi ne, %rem3A, %ne3A : i32
          %lt3A_427 = arith.constant 0 : i32
          %lt3A_428 = arith.cmpi slt, %rem3A, %lt3A_427 : i32
          %lt3A_429 = arith.constant 0 : i32
          %lt3A_430 = arith.cmpi slt, %select_n3A, %lt3A_429 : i32
          %ne3A_431 = arith.xori %lt3A_428, %lt3A_430 : i1
          %and3A = arith.andi %ne3A_431, %ne3A_426 : i1
          %add3A_432 = arith.addi %rem3A, %select_n3A : i32
          %select_n3A_433 = arith.select %and3A, %add3A_432, %rem3A : i32
          %get3A_434 = arith.index_cast %select_n3A_433 : i32 to index
          %get3A_435 = arith.index_cast %scan3A_417 : i32 to index
          %get3A_436 = arith.constant 0 : index
          %get3A_437 = tpu.vector_load %arg13[%get3A_434, %get3A_435, %get3A_436] {strides = array<i32>} : memref<4x128x32xf32, #tpu.memory_space<vmem>>, vector<1x1x16xf32>,
          %get3A_438 = vector.shape_cast %get3A_437 : vector<1x1x16xf32> to vector<16xf32>
          %get3A_439 = arith.index_cast %add3A_419 : i32 to index
          %get3A_440 = arith.constant 0 : index
          %get3A_441 = tpu.vector_load %arg15[%get3A_439, %get3A_440] {strides = array<i32>} : memref<640x32xf32, #tpu.memory_space<vmem>>, vector<1x16xf32>,
          %get3A_442 = vector.shape_cast %get3A_441 : vector<1x16xf32> to vector<16xf32>
          %add3A_443 = arith.addf %get3A_438, %get3A_442 : vector<16xf32>
          %mul3A_444 = vector.broadcast %squeeze3A : f32 to vector<16xf32>
          %mul3A_445 = arith.mulf %add3A_443, %mul3A_444 : vector<16xf32>
          %get3A_446 = arith.index_cast %add3A_419 : i32 to index
          %get3A_447 = arith.constant 0 : index
          %get3A_448 = tpu.vector_load %arg16[%get3A_446, %get3A_447] {strides = array<i32>} : memref<640x32xf32, #tpu.memory_space<vmem>>, vector<1x16xf32>,
          %get3A_449 = vector.shape_cast %get3A_448 : vector<1x16xf32> to vector<16xf32>
          %add3A_450 = arith.addf %mul3A_445, %get3A_449 : vector<16xf32>
          %jit3A_451 = arith.constant 4 : i32
          %eq3A_452 = arith.constant 0 : i32
          %eq3A_453 = arith.cmpi eq, %jit3A_451, %eq3A_452 : i32
          %jit3A_454 = arith.constant 1 : i32
          %select_n3A_455 = arith.select %eq3A_453, %jit3A_454, %jit3A_451 : i32
          %rem3A_456 = arith.remsi %scan3A_350, %select_n3A_455 : i32
          %ne3A_457 = arith.constant 0 : i32
          %ne3A_458 = arith.cmpi ne, %rem3A_456, %ne3A_457 : i32
          %lt3A_459 = arith.constant 0 : i32
          %lt3A_460 = arith.cmpi slt, %rem3A_456, %lt3A_459 : i32
          %lt3A_461 = arith.constant 0 : i32
          %lt3A_462 = arith.cmpi slt, %select_n3A_455, %lt3A_461 : i32
          %ne3A_463 = arith.xori %lt3A_460, %lt3A_462 : i1
          %and3A_464 = arith.andi %ne3A_463, %ne3A_458 : i1
          %add3A_465 = arith.addi %rem3A_456, %select_n3A_455 : i32
          %select_n3A_466 = arith.select %and3A_464, %add3A_465, %rem3A_456 : i32
          %get3A_467 = arith.index_cast %select_n3A_466 : i32 to index
          %get3A_468 = arith.index_cast %scan3A_417 : i32 to index
          %get3A_469 = arith.constant 16 : index
          %get3A_470 = tpu.vector_load %arg13[%get3A_467, %get3A_468, %get3A_469] {strides = array<i32>} : memref<4x128x32xf32, #tpu.memory_space<vmem>>, vector<1x1x16xf32>,
          %get3A_471 = vector.shape_cast %get3A_470 : vector<1x1x16xf32> to vector<16xf32>
          %get3A_472 = arith.index_cast %add3A_419 : i32 to index
          %get3A_473 = arith.constant 16 : index
          %get3A_474 = tpu.vector_load %arg15[%get3A_472, %get3A_473] {strides = array<i32>} : memref<640x32xf32, #tpu.memory_space<vmem>>, vector<1x16xf32>,
          %get3A_475 = vector.shape_cast %get3A_474 : vector<1x16xf32> to vector<16xf32>
          %add3A_476 = arith.addf %get3A_471, %get3A_475 : vector<16xf32>
          %mul3A_477 = vector.broadcast %squeeze3A : f32 to vector<16xf32>
          %mul3A_478 = arith.mulf %add3A_476, %mul3A_477 : vector<16xf32>
          %get3A_479 = arith.index_cast %add3A_419 : i32 to index
          %get3A_480 = arith.constant 16 : index
          %get3A_481 = tpu.vector_load %arg16[%get3A_479, %get3A_480] {strides = array<i32>} : memref<640x32xf32, #tpu.memory_space<vmem>>, vector<1x16xf32>,
          %get3A_482 = vector.shape_cast %get3A_481 : vector<1x16xf32> to vector<16xf32>
          %add3A_483 = arith.addf %mul3A_478, %get3A_482 : vector<16xf32>
          %swap3A_484 = arith.index_cast %add3A_419 : i32 to index
          %swap3A_485 = arith.constant 0 : index
          %swap3A_486 = tpu.vector_load %arg15[%swap3A_484, %swap3A_485] {strides = array<i32>} : memref<640x32xf32, #tpu.memory_space<vmem>>, vector<1x16xf32>,
          %swap3A_487 = vector.shape_cast %swap3A_486 : vector<1x16xf32> to vector<16xf32>
          %swap3A_488 = vector.shape_cast %add3A_450 : vector<16xf32> to vector<1x16xf32>
          tpu.vector_store %arg15[%swap3A_484, %swap3A_485], %swap3A_488 {strides = array<i32>} : memref<640x32xf32, #tpu.memory_space<vmem>>, vector<1x16xf32>,
          %swap3A_489 = arith.index_cast %add3A_419 : i32 to index
          %swap3A_490 = arith.constant 16 : index
          %swap3A_491 = tpu.vector_load %arg15[%swap3A_489, %swap3A_490] {strides = array<i32>} : memref<640x32xf32, #tpu.memory_space<vmem>>, vector<1x16xf32>,
          %swap3A_492 = vector.shape_cast %swap3A_491 : vector<1x16xf32> to vector<16xf32>
          %swap3A_493 = vector.shape_cast %add3A_483 : vector<16xf32> to vector<1x16xf32>
          tpu.vector_store %arg15[%swap3A_489, %swap3A_490], %swap3A_493 {strides = array<i32>} : memref<640x32xf32, #tpu.memory_space<vmem>>, vector<1x16xf32>,
          %scan3A_494 = arith.constant 0 : i32
          scf.yield %scan3A_494 : i32
        }
        %scan3A_406 = arith.constant 128 : i32
        %add3A_407 = arith.addi %mul3A_0, %mul3A_353 : i32
        %dma_start3A_408 = arith.constant 0 : i32
        %dma_start3A_409 = tpu.memref_slice %arg15[%mul3A_353, %dma_start3A_408] : memref<640x32xf32, #tpu.memory_space<vmem>> -> memref<128x32xf32, #tpu.memory_space<vmem>>
        %dma_start3A_410 = arith.constant 0 : i32
        %dma_start3A_411 = tpu.memref_slice %arg7[%add3A_407, %dma_start3A_410] : memref<10240x32xf32, #tpu.memory_space<vmem_shared>> -> memref<128x32xf32, #tpu.memory_space<vmem_shared>>
        %dma_start3A_412 = arith.constant 0 : i32
        %dma_start3A_413 = tpu.memref_slice %arg7[%add3A_407, %dma_start3A_412] : memref<10240x32xf32, #tpu.memory_space<vmem_shared>> -> memref<128x32xf32, #tpu.memory_space<vmem_shared>>
        %dma_start3A_414 = arith.constant 0 : i32
        %dma_start3A_415 = tpu.memref_slice %arg15[%mul3A_353, %dma_start3A_414] : memref<640x32xf32, #tpu.memory_space<vmem>> -> memref<128x32xf32, #tpu.memory_space<vmem>>
        tpu.enqueue_dma source(%dma_start3A_415 : memref<128x32xf32, #tpu.memory_space<vmem>>) target(%dma_start3A_413 : memref<128x32xf32, #tpu.memory_space<vmem_shared>>) target_semaphore(%arg25 : memref<!tpu.dma_semaphore, #tpu.memory_space<semaphore_mem>>)
        %scan3A_416 = arith.constant 0 : i32
        scf.yield %scan3A_416 : i32
      }
      %scan3A_340 = arith.constant 5 : i32
      %scan3A_341 = arith.constant 0 : i32
      %scan3A_342 = arith.constant 0 : i32
      %scan3A_343 = arith.constant 5 : i32
      %scan3A_344 = arith.addi %scan3A_342, %scan3A_343 : i32
      %scan3A_345 = arith.constant 1 : i32
      %scan3A_346 = scf.for %scan3A_350 = %scan3A_342 to %scan3A_344 step %scan3A_345 iter_args(%scan3A_351 = %scan3A_341) -> (i32)  : i32 {
        %dma_wait3A_352 = arith.constant 0 : i32
        %dma_wait3A_353 = tpu.memref_slice %arg8[%mul3A_0, %dma_wait3A_352] : memref<10240x32xf32, #tpu.memory_space<vmem_shared>> -> memref<32x32xf32, #tpu.memory_space<vmem_shared>>
        %dma_wait3A_354 = arith.constant 0 : i32
        %dma_wait3A_355 = tpu.memref_slice %arg8[%mul3A_0, %dma_wait3A_354] : memref<10240x32xf32, #tpu.memory_space<vmem_shared>> -> memref<32x32xf32, #tpu.memory_space<vmem_shared>>
        tpu.wait_dma2 semaphore(%arg25 : memref<!tpu.dma_semaphore, #tpu.memory_space<semaphore_mem>>) src(%arg14 : memref<32x32xf32, #tpu.memory_space<vmem>>) dst(%dma_wait3A_355 : memref<32x32xf32, #tpu.memory_space<vmem_shared>>)
        %dma_wait3A_356 = arith.constant 0 : i32
        %dma_wait3A_357 = tpu.memref_slice %arg8[%mul3A_0, %dma_wait3A_356] : memref<10240x32xf32, #tpu.memory_space<vmem_shared>> -> memref<32x32xf32, #tpu.memory_space<vmem_shared>>
        %dma_wait3A_358 = arith.constant 0 : i32
        %dma_wait3A_359 = tpu.memref_slice %arg8[%mul3A_0, %dma_wait3A_358] : memref<10240x32xf32, #tpu.memory_space<vmem_shared>> -> memref<32x32xf32, #tpu.memory_space<vmem_shared>>
        tpu.wait_dma2 semaphore(%arg25 : memref<!tpu.dma_semaphore, #tpu.memory_space<semaphore_mem>>) src(%arg14 : memref<32x32xf32, #tpu.memory_space<vmem>>) dst(%dma_wait3A_359 : memref<32x32xf32, #tpu.memory_space<vmem_shared>>)
        %dma_wait3A_360 = arith.constant 0 : i32
        %dma_wait3A_361 = tpu.memref_slice %arg8[%mul3A_0, %dma_wait3A_360] : memref<10240x32xf32, #tpu.memory_space<vmem_shared>> -> memref<32x32xf32, #tpu.memory_space<vmem_shared>>
        %dma_wait3A_362 = arith.constant 0 : i32
        %dma_wait3A_363 = tpu.memref_slice %arg8[%mul3A_0, %dma_wait3A_362] : memref<10240x32xf32, #tpu.memory_space<vmem_shared>> -> memref<32x32xf32, #tpu.memory_space<vmem_shared>>
        tpu.wait_dma2 semaphore(%arg25 : memref<!tpu.dma_semaphore, #tpu.memory_space<semaphore_mem>>) src(%arg14 : memref<32x32xf32, #tpu.memory_space<vmem>>) dst(%dma_wait3A_363 : memref<32x32xf32, #tpu.memory_space<vmem_shared>>)
        %dma_wait3A_364 = arith.constant 0 : i32
        %dma_wait3A_365 = tpu.memref_slice %arg8[%mul3A_0, %dma_wait3A_364] : memref<10240x32xf32, #tpu.memory_space<vmem_shared>> -> memref<32x32xf32, #tpu.memory_space<vmem_shared>>
        %dma_wait3A_366 = arith.constant 0 : i32
        %dma_wait3A_367 = tpu.memref_slice %arg8[%mul3A_0, %dma_wait3A_366] : memref<10240x32xf32, #tpu.memory_space<vmem_shared>> -> memref<32x32xf32, #tpu.memory_space<vmem_shared>>
        tpu.wait_dma2 semaphore(%arg25 : memref<!tpu.dma_semaphore, #tpu.memory_space<semaphore_mem>>) src(%arg14 : memref<32x32xf32, #tpu.memory_space<vmem>>) dst(%dma_wait3A_367 : memref<32x32xf32, #tpu.memory_space<vmem_shared>>)
        %dma_wait3A_368 = arith.constant 0 : i32
        %dma_wait3A_369 = arith.constant 0 : i32
        %dma_wait3A_370 = tpu.memref_slice %arg15[%dma_wait3A_368, %dma_wait3A_369] : memref<640x32xf32, #tpu.memory_space<vmem>> -> memref<128x32xf32, #tpu.memory_space<vmem>>
        %dma_wait3A_371 = arith.constant 0 : i32
        %dma_wait3A_372 = tpu.memref_slice %arg7[%mul3A_0, %dma_wait3A_371] : memref<10240x32xf32, #tpu.memory_space<vmem_shared>> -> memref<128x32xf32, #tpu.memory_space<vmem_shared>>
        %dma_wait3A_373 = arith.constant 0 : i32
        %dma_wait3A_374 = tpu.memref_slice %arg7[%mul3A_0, %dma_wait3A_373] : memref<10240x32xf32, #tpu.memory_space<vmem_shared>> -> memref<128x32xf32, #tpu.memory_space<vmem_shared>>
        %dma_wait3A_375 = arith.constant 0 : i32
        %dma_wait3A_376 = arith.constant 0 : i32
        %dma_wait3A_377 = tpu.memref_slice %arg15[%dma_wait3A_375, %dma_wait3A_376] : memref<640x32xf32, #tpu.memory_space<vmem>> -> memref<128x32xf32, #tpu.memory_space<vmem>>
        tpu.wait_dma2 semaphore(%arg25 : memref<!tpu.dma_semaphore, #tpu.memory_space<semaphore_mem>>) src(%dma_wait3A_377 : memref<128x32xf32, #tpu.memory_space<vmem>>) dst(%dma_wait3A_374 : memref<128x32xf32, #tpu.memory_space<vmem_shared>>)
        %scan3A_378 = arith.constant 0 : i32
        scf.yield %scan3A_378 : i32
      }
      %scan3A_347 = arith.constant 5 : i32
      %barrier3A_348 = arith.constant 0 : index
      tpu.barrier barrier_id(%barrier3A_348)
      %scan3A_349 = arith.constant 0 : i32
      scf.yield %scan3A_349 : i32
    }
    %scan3A_65 = arith.constant 10 : i32
    %scan3A_66 = arith.constant 0 : i32
    %scan3A_67 = arith.constant 640 : i32
    %scan3A_68 = arith.addi %scan3A_66, %scan3A_67 : i32
    %scan3A_69 = arith.constant 1 : i32
    %scan3A_70:4 = scf.for %scan3A_222 = %scan3A_66 to %scan3A_68 step %scan3A_69 iter_args(%scan3A_223 = %broadcast_in_dim3A_1, %scan3A_224 = %broadcast_in_dim3A_1, %scan3A_225 = %broadcast_in_dim3A_1, %scan3A_226 = %broadcast_in_dim3A_1) -> (vector<16xf32>, vector<16xf32>, vector<16xf32>, vector<16xf32>)  : i32 {
      %get3A_227 = arith.index_cast %scan3A_222 : i32 to index
      %get3A_228 = tpu.vector_load %arg19[%get3A_227] {strides = array<i32>} : memref<656xf32, #tpu.memory_space<vmem>>, vector<16xf32>,
      %get3A_229 = vector.shape_cast %get3A_228 : vector<16xf32> to vector<16xf32>
      %slice3A = vector.extract_strided_slice %get3A_229 {offsets = [0], sizes = [1], strides = [1]} : vector<16xf32> to vector<1xf32>
      %squeeze3A = vector.extract %slice3A[0] : f32 from vector<1xf32>
      %get3A_230 = arith.index_cast %scan3A_222 : i32 to index
      %get3A_231 = arith.constant 0 : index
      %get3A_232 = tpu.vector_load %arg15[%get3A_230, %get3A_231] {strides = array<i32>} : memref<640x32xf32, #tpu.memory_space<vmem>>, vector<1x16xf32>,
      %get3A_233 = vector.shape_cast %get3A_232 : vector<1x16xf32> to vector<16xf32>
      %mul3A_234 = vector.broadcast %squeeze3A : f32 to vector<16xf32>
      %mul3A_235 = arith.mulf %get3A_233, %mul3A_234 : vector<16xf32>
      %get3A_236 = arith.index_cast %scan3A_222 : i32 to index
      %get3A_237 = arith.constant 16 : index
      %get3A_238 = tpu.vector_load %arg15[%get3A_236, %get3A_237] {strides = array<i32>} : memref<640x32xf32, #tpu.memory_space<vmem>>, vector<1x16xf32>,
      %get3A_239 = vector.shape_cast %get3A_238 : vector<1x16xf32> to vector<16xf32>
      %mul3A_240 = vector.broadcast %squeeze3A : f32 to vector<16xf32>
      %mul3A_241 = arith.mulf %get3A_239, %mul3A_240 : vector<16xf32>
      %add3A_242 = arith.addf %scan3A_223, %mul3A_235 : vector<16xf32>
      %add3A_243 = arith.addf %scan3A_224, %mul3A_241 : vector<16xf32>
      %mul3A_244 = arith.mulf %mul3A_235, %mul3A_235 : vector<16xf32>
      %add3A_245 = arith.addf %scan3A_225, %mul3A_244 : vector<16xf32>
      %mul3A_246 = arith.mulf %mul3A_241, %mul3A_241 : vector<16xf32>
      %add3A_247 = arith.addf %scan3A_226, %mul3A_246 : vector<16xf32>
      scf.yield %add3A_242, %add3A_243, %add3A_245, %add3A_247 : vector<16xf32>, vector<16xf32>, vector<16xf32>, vector<16xf32>
    }
    %scan3A_71 = arith.constant 640 : i32
    %swap3A = arith.constant 0 : index
    %swap3A_72 = tpu.vector_load %arg21[%swap3A] {strides = array<i32>} : memref<64xf32, #tpu.memory_space<vmem>>, vector<16xf32>,
    %swap3A_73 = vector.shape_cast %swap3A_72 : vector<16xf32> to vector<16xf32>
    %swap3A_74 = vector.shape_cast %scan3A_70#0 : vector<16xf32> to vector<16xf32>
    tpu.vector_store %arg21[%swap3A], %swap3A_74 {strides = array<i32>} : memref<64xf32, #tpu.memory_space<vmem>>, vector<16xf32>,
    %swap3A_75 = arith.constant 16 : index
    %swap3A_76 = tpu.vector_load %arg21[%swap3A_75] {strides = array<i32>} : memref<64xf32, #tpu.memory_space<vmem>>, vector<16xf32>,
    %swap3A_77 = vector.shape_cast %swap3A_76 : vector<16xf32> to vector<16xf32>
    %swap3A_78 = vector.shape_cast %scan3A_70#1 : vector<16xf32> to vector<16xf32>
    tpu.vector_store %arg21[%swap3A_75], %swap3A_78 {strides = array<i32>} : memref<64xf32, #tpu.memory_space<vmem>>, vector<16xf32>,
    %swap3A_79 = arith.constant 32 : index
    %swap3A_80 = tpu.vector_load %arg21[%swap3A_79] {strides = array<i32>} : memref<64xf32, #tpu.memory_space<vmem>>, vector<16xf32>,
    %swap3A_81 = vector.shape_cast %swap3A_80 : vector<16xf32> to vector<16xf32>
    %swap3A_82 = vector.shape_cast %scan3A_70#2 : vector<16xf32> to vector<16xf32>
    tpu.vector_store %arg21[%swap3A_79], %swap3A_82 {strides = array<i32>} : memref<64xf32, #tpu.memory_space<vmem>>, vector<16xf32>,
    %swap3A_83 = arith.constant 48 : index
    %swap3A_84 = tpu.vector_load %arg21[%swap3A_83] {strides = array<i32>} : memref<64xf32, #tpu.memory_space<vmem>>, vector<16xf32>,
    %swap3A_85 = vector.shape_cast %swap3A_84 : vector<16xf32> to vector<16xf32>
    %swap3A_86 = vector.shape_cast %scan3A_70#3 : vector<16xf32> to vector<16xf32>
    tpu.vector_store %arg21[%swap3A_83], %swap3A_86 {strides = array<i32>} : memref<64xf32, #tpu.memory_space<vmem>>, vector<16xf32>,
    "tpu.region"() ({
      %run_scoped3A = tpu.sem_alloc : memref<!tpu.dma_semaphore, #tpu.memory_space<semaphore_mem>>
      %dma_start3A = arith.constant 0 : i32
      %dma_start3A_222 = tpu.memref_slice %arg10[%arg1, %dma_start3A] : memref<16x64xf32, #tpu.memory_space<vmem_shared>> -> memref<1x64xf32, #tpu.memory_space<vmem_shared>>
      %dma_start3A_223 = tpu.memref_squeeze %dma_start3A_222 : memref<1x64xf32, #tpu.memory_space<vmem_shared>> -> memref<64xf32, #tpu.memory_space<vmem_shared>>
      %dma_start3A_224 = arith.constant 0 : i32
      %dma_start3A_225 = tpu.memref_slice %arg10[%arg1, %dma_start3A_224] : memref<16x64xf32, #tpu.memory_space<vmem_shared>> -> memref<1x64xf32, #tpu.memory_space<vmem_shared>>
      %dma_start3A_226 = tpu.memref_squeeze %dma_start3A_225 : memref<1x64xf32, #tpu.memory_space<vmem_shared>> -> memref<64xf32, #tpu.memory_space<vmem_shared>>
      tpu.enqueue_dma source(%arg21 : memref<64xf32, #tpu.memory_space<vmem>>) target(%dma_start3A_226 : memref<64xf32, #tpu.memory_space<vmem_shared>>) target_semaphore(%run_scoped3A : memref<!tpu.dma_semaphore, #tpu.memory_space<semaphore_mem>>)
      %dma_wait3A = arith.constant 0 : i32
      %dma_wait3A_227 = tpu.memref_slice %arg10[%arg1, %dma_wait3A] : memref<16x64xf32, #tpu.memory_space<vmem_shared>> -> memref<1x64xf32, #tpu.memory_space<vmem_shared>>
      %dma_wait3A_228 = tpu.memref_squeeze %dma_wait3A_227 : memref<1x64xf32, #tpu.memory_space<vmem_shared>> -> memref<64xf32, #tpu.memory_space<vmem_shared>>
      %dma_wait3A_229 = arith.constant 0 : i32
      %dma_wait3A_230 = tpu.memref_slice %arg10[%arg1, %dma_wait3A_229] : memref<16x64xf32, #tpu.memory_space<vmem_shared>> -> memref<1x64xf32, #tpu.memory_space<vmem_shared>>
      %dma_wait3A_231 = tpu.memref_squeeze %dma_wait3A_230 : memref<1x64xf32, #tpu.memory_space<vmem_shared>> -> memref<64xf32, #tpu.memory_space<vmem_shared>>
      tpu.wait_dma2 semaphore(%run_scoped3A : memref<!tpu.dma_semaphore, #tpu.memory_space<semaphore_mem>>) src(%arg21 : memref<64xf32, #tpu.memory_space<vmem>>) dst(%dma_wait3A_231 : memref<64xf32, #tpu.memory_space<vmem_shared>>)
      tpu.yield
    }) : () -> ()
    %barrier3A_87 = arith.constant 0 : index
    tpu.barrier barrier_id(%barrier3A_87)
    "tpu.region"() ({
      %run_scoped3A = tpu.sem_alloc : memref<!tpu.dma_semaphore, #tpu.memory_space<semaphore_mem>>
      tpu.enqueue_dma source(%arg10 : memref<16x64xf32, #tpu.memory_space<vmem_shared>>) target(%arg22 : memref<16x64xf32, #tpu.memory_space<vmem>>) target_semaphore(%run_scoped3A : memref<!tpu.dma_semaphore, #tpu.memory_space<semaphore_mem>>)
      tpu.wait_dma2 semaphore(%run_scoped3A : memref<!tpu.dma_semaphore, #tpu.memory_space<semaphore_mem>>) src(%arg10 : memref<16x64xf32, #tpu.memory_space<vmem_shared>>) dst(%arg22 : memref<16x64xf32, #tpu.memory_space<vmem>>)
      tpu.yield
    }) : () -> ()
    %scan3A_88 = arith.constant 0 : i32
    %scan3A_89 = arith.constant 16 : i32
    %scan3A_90 = arith.addi %scan3A_88, %scan3A_89 : i32
    %scan3A_91 = arith.constant 1 : i32
    %scan3A_92:4 = scf.for %scan3A_222 = %scan3A_88 to %scan3A_90 step %scan3A_91 iter_args(%scan3A_223 = %broadcast_in_dim3A_1, %scan3A_224 = %broadcast_in_dim3A_1, %scan3A_225 = %broadcast_in_dim3A_1, %scan3A_226 = %broadcast_in_dim3A_1) -> (vector<16xf32>, vector<16xf32>, vector<16xf32>, vector<16xf32>)  : i32 {
      %get3A_227 = arith.index_cast %scan3A_222 : i32 to index
      %get3A_228 = arith.constant 0 : index
      %get3A_229 = tpu.vector_load %arg22[%get3A_227, %get3A_228] {strides = array<i32>} : memref<16x64xf32, #tpu.memory_space<vmem>>, vector<1x16xf32>,
      %get3A_230 = vector.shape_cast %get3A_229 : vector<1x16xf32> to vector<16xf32>
      %add3A_231 = arith.addf %scan3A_223, %get3A_230 : vector<16xf32>
      %get3A_232 = arith.index_cast %scan3A_222 : i32 to index
      %get3A_233 = arith.constant 16 : index
      %get3A_234 = tpu.vector_load %arg22[%get3A_232, %get3A_233] {strides = array<i32>} : memref<16x64xf32, #tpu.memory_space<vmem>>, vector<1x16xf32>,
      %get3A_235 = vector.shape_cast %get3A_234 : vector<1x16xf32> to vector<16xf32>
      %add3A_236 = arith.addf %scan3A_224, %get3A_235 : vector<16xf32>
      %get3A_237 = arith.index_cast %scan3A_222 : i32 to index
      %get3A_238 = arith.constant 32 : index
      %get3A_239 = tpu.vector_load %arg22[%get3A_237, %get3A_238] {strides = array<i32>} : memref<16x64xf32, #tpu.memory_space<vmem>>, vector<1x16xf32>,
      %get3A_240 = vector.shape_cast %get3A_239 : vector<1x16xf32> to vector<16xf32>
      %add3A_241 = arith.addf %scan3A_225, %get3A_240 : vector<16xf32>
      %get3A_242 = arith.index_cast %scan3A_222 : i32 to index
      %get3A_243 = arith.constant 48 : index
      %get3A_244 = tpu.vector_load %arg22[%get3A_242, %get3A_243] {strides = array<i32>} : memref<16x64xf32, #tpu.memory_space<vmem>>, vector<1x16xf32>,
      %get3A_245 = vector.shape_cast %get3A_244 : vector<1x16xf32> to vector<16xf32>
      %add3A_246 = arith.addf %scan3A_226, %get3A_245 : vector<16xf32>
      scf.yield %add3A_231, %add3A_236, %add3A_241, %add3A_246 : vector<16xf32>, vector<16xf32>, vector<16xf32>, vector<16xf32>
    }
    %scan3A_93 = arith.constant 16 : i32
    %mul3A_94 = arith.constant 9.99999974E-5 : f32
    %mul3A_95 = vector.broadcast %mul3A_94 : f32 to vector<16xf32>
    %mul3A_96 = arith.mulf %scan3A_92#0, %mul3A_95 : vector<16xf32>
    %mul3A_97 = arith.constant 9.99999974E-5 : f32
    %mul3A_98 = vector.broadcast %mul3A_97 : f32 to vector<16xf32>
    %mul3A_99 = arith.mulf %scan3A_92#1, %mul3A_98 : vector<16xf32>
    %mul3A_100 = arith.constant 9.99999974E-5 : f32
    %mul3A_101 = vector.broadcast %mul3A_100 : f32 to vector<16xf32>
    %mul3A_102 = arith.mulf %scan3A_92#2, %mul3A_101 : vector<16xf32>
    %mul3A_103 = arith.mulf %mul3A_96, %mul3A_96 : vector<16xf32>
    %sub3A = arith.subf %mul3A_102, %mul3A_103 : vector<16xf32>
    %mul3A_104 = arith.constant 9.99999974E-5 : f32
    %mul3A_105 = vector.broadcast %mul3A_104 : f32 to vector<16xf32>
    %mul3A_106 = arith.mulf %scan3A_92#3, %mul3A_105 : vector<16xf32>
    %mul3A_107 = arith.mulf %mul3A_99, %mul3A_99 : vector<16xf32>
    %sub3A_108 = arith.subf %mul3A_106, %mul3A_107 : vector<16xf32>
    %get3A = arith.constant 0 : i32
    %get3A_109 = arith.index_cast %get3A : i32 to index
    %get3A_110 = arith.constant 0 : index
    %get3A_111 = tpu.vector_load %arg23[%get3A_109, %get3A_110] {strides = array<i32>} : memref<2x32xf32, #tpu.memory_space<vmem>>, vector<1x16xf32>,
    %get3A_112 = vector.shape_cast %get3A_111 : vector<1x16xf32> to vector<16xf32>
    %add3A = arith.constant 9.99999974E-6 : f32
    %add3A_113 = vector.broadcast %add3A : f32 to vector<16xf32>
    %add3A_114 = arith.addf %sub3A, %add3A_113 : vector<16xf32>
    %bitcast_convert_type3A = tpu.bitcast %add3A_114 : vector<16xf32> -> vector<16xi32>
    %shift_right_arithmetic3A = arith.constant 1 : i32
    %shift_right_arithmetic3A_115 = vector.broadcast %shift_right_arithmetic3A : i32 to vector<16xi32>
    %shift_right_arithmetic3A_116 = arith.shrsi %bitcast_convert_type3A, %shift_right_arithmetic3A_115 : vector<16xi32>
    %sub3A_117 = arith.constant 1597463007 : i32
    %sub3A_118 = vector.broadcast %sub3A_117 : i32 to vector<16xi32>
    %sub3A_119 = arith.subi %sub3A_118, %shift_right_arithmetic3A_116 : vector<16xi32>
    %bitcast_convert_type3A_120 = tpu.bitcast %sub3A_119 : vector<16xi32> -> vector<16xf32>
    %mul3A_121 = arith.constant 5.000000e-01 : f32
    %mul3A_122 = vector.broadcast %mul3A_121 : f32 to vector<16xf32>
    %mul3A_123 = arith.mulf %mul3A_122, %add3A_114 : vector<16xf32>
    %mul3A_124 = arith.mulf %mul3A_123, %bitcast_convert_type3A_120 : vector<16xf32>
    %mul3A_125 = arith.mulf %mul3A_124, %bitcast_convert_type3A_120 : vector<16xf32>
    %sub3A_126 = arith.constant 1.500000e+00 : f32
    %sub3A_127 = vector.broadcast %sub3A_126 : f32 to vector<16xf32>
    %sub3A_128 = arith.subf %sub3A_127, %mul3A_125 : vector<16xf32>
    %mul3A_129 = arith.mulf %bitcast_convert_type3A_120, %sub3A_128 : vector<16xf32>
    %mul3A_130 = arith.constant 5.000000e-01 : f32
    %mul3A_131 = vector.broadcast %mul3A_130 : f32 to vector<16xf32>
    %mul3A_132 = arith.mulf %mul3A_131, %add3A_114 : vector<16xf32>
    %mul3A_133 = arith.mulf %mul3A_132, %mul3A_129 : vector<16xf32>
    %mul3A_134 = arith.mulf %mul3A_133, %mul3A_129 : vector<16xf32>
    %sub3A_135 = arith.constant 1.500000e+00 : f32
    %sub3A_136 = vector.broadcast %sub3A_135 : f32 to vector<16xf32>
    %sub3A_137 = arith.subf %sub3A_136, %mul3A_134 : vector<16xf32>
    %mul3A_138 = arith.mulf %mul3A_129, %sub3A_137 : vector<16xf32>
    %mul3A_139 = arith.constant 5.000000e-01 : f32
    %mul3A_140 = vector.broadcast %mul3A_139 : f32 to vector<16xf32>
    %mul3A_141 = arith.mulf %mul3A_140, %add3A_114 : vector<16xf32>
    %mul3A_142 = arith.mulf %mul3A_141, %mul3A_138 : vector<16xf32>
    %mul3A_143 = arith.mulf %mul3A_142, %mul3A_138 : vector<16xf32>
    %sub3A_144 = arith.constant 1.500000e+00 : f32
    %sub3A_145 = vector.broadcast %sub3A_144 : f32 to vector<16xf32>
    %sub3A_146 = arith.subf %sub3A_145, %mul3A_143 : vector<16xf32>
    %mul3A_147 = arith.mulf %mul3A_138, %sub3A_146 : vector<16xf32>
    %mul3A_148 = arith.mulf %get3A_112, %mul3A_147 : vector<16xf32>
    %get3A_149 = arith.constant 0 : i32
    %get3A_150 = arith.index_cast %get3A_149 : i32 to index
    %get3A_151 = arith.constant 16 : index
    %get3A_152 = tpu.vector_load %arg23[%get3A_150, %get3A_151] {strides = array<i32>} : memref<2x32xf32, #tpu.memory_space<vmem>>, vector<1x16xf32>,
    %get3A_153 = vector.shape_cast %get3A_152 : vector<1x16xf32> to vector<16xf32>
    %add3A_154 = arith.constant 9.99999974E-6 : f32
    %add3A_155 = vector.broadcast %add3A_154 : f32 to vector<16xf32>
    %add3A_156 = arith.addf %sub3A_108, %add3A_155 : vector<16xf32>
    %bitcast_convert_type3A_157 = tpu.bitcast %add3A_156 : vector<16xf32> -> vector<16xi32>
    %shift_right_arithmetic3A_158 = arith.constant 1 : i32
    %shift_right_arithmetic3A_159 = vector.broadcast %shift_right_arithmetic3A_158 : i32 to vector<16xi32>
    %shift_right_arithmetic3A_160 = arith.shrsi %bitcast_convert_type3A_157, %shift_right_arithmetic3A_159 : vector<16xi32>
    %sub3A_161 = arith.constant 1597463007 : i32
    %sub3A_162 = vector.broadcast %sub3A_161 : i32 to vector<16xi32>
    %sub3A_163 = arith.subi %sub3A_162, %shift_right_arithmetic3A_160 : vector<16xi32>
    %bitcast_convert_type3A_164 = tpu.bitcast %sub3A_163 : vector<16xi32> -> vector<16xf32>
    %mul3A_165 = arith.constant 5.000000e-01 : f32
    %mul3A_166 = vector.broadcast %mul3A_165 : f32 to vector<16xf32>
    %mul3A_167 = arith.mulf %mul3A_166, %add3A_156 : vector<16xf32>
    %mul3A_168 = arith.mulf %mul3A_167, %bitcast_convert_type3A_164 : vector<16xf32>
    %mul3A_169 = arith.mulf %mul3A_168, %bitcast_convert_type3A_164 : vector<16xf32>
    %sub3A_170 = arith.constant 1.500000e+00 : f32
    %sub3A_171 = vector.broadcast %sub3A_170 : f32 to vector<16xf32>
    %sub3A_172 = arith.subf %sub3A_171, %mul3A_169 : vector<16xf32>
    %mul3A_173 = arith.mulf %bitcast_convert_type3A_164, %sub3A_172 : vector<16xf32>
    %mul3A_174 = arith.constant 5.000000e-01 : f32
    %mul3A_175 = vector.broadcast %mul3A_174 : f32 to vector<16xf32>
    %mul3A_176 = arith.mulf %mul3A_175, %add3A_156 : vector<16xf32>
    %mul3A_177 = arith.mulf %mul3A_176, %mul3A_173 : vector<16xf32>
    %mul3A_178 = arith.mulf %mul3A_177, %mul3A_173 : vector<16xf32>
    %sub3A_179 = arith.constant 1.500000e+00 : f32
    %sub3A_180 = vector.broadcast %sub3A_179 : f32 to vector<16xf32>
    %sub3A_181 = arith.subf %sub3A_180, %mul3A_178 : vector<16xf32>
    %mul3A_182 = arith.mulf %mul3A_173, %sub3A_181 : vector<16xf32>
    %mul3A_183 = arith.constant 5.000000e-01 : f32
    %mul3A_184 = vector.broadcast %mul3A_183 : f32 to vector<16xf32>
    %mul3A_185 = arith.mulf %mul3A_184, %add3A_156 : vector<16xf32>
    %mul3A_186 = arith.mulf %mul3A_185, %mul3A_182 : vector<16xf32>
    %mul3A_187 = arith.mulf %mul3A_186, %mul3A_182 : vector<16xf32>
    %sub3A_188 = arith.constant 1.500000e+00 : f32
    %sub3A_189 = vector.broadcast %sub3A_188 : f32 to vector<16xf32>
    %sub3A_190 = arith.subf %sub3A_189, %mul3A_187 : vector<16xf32>
    %mul3A_191 = arith.mulf %mul3A_182, %sub3A_190 : vector<16xf32>
    %mul3A_192 = arith.mulf %get3A_153, %mul3A_191 : vector<16xf32>
    %get3A_193 = arith.constant 1 : i32
    %get3A_194 = arith.index_cast %get3A_193 : i32 to index
    %get3A_195 = arith.constant 0 : index
    %get3A_196 = tpu.vector_load %arg23[%get3A_194, %get3A_195] {strides = array<i32>} : memref<2x32xf32, #tpu.memory_space<vmem>>, vector<1x16xf32>,
    %get3A_197 = vector.shape_cast %get3A_196 : vector<1x16xf32> to vector<16xf32>
    %mul3A_198 = arith.mulf %mul3A_148, %mul3A_96 : vector<16xf32>
    %sub3A_199 = arith.subf %get3A_197, %mul3A_198 : vector<16xf32>
    %get3A_200 = arith.constant 1 : i32
    %get3A_201 = arith.index_cast %get3A_200 : i32 to index
    %get3A_202 = arith.constant 16 : index
    %get3A_203 = tpu.vector_load %arg23[%get3A_201, %get3A_202] {strides = array<i32>} : memref<2x32xf32, #tpu.memory_space<vmem>>, vector<1x16xf32>,
    %get3A_204 = vector.shape_cast %get3A_203 : vector<1x16xf32> to vector<16xf32>
    %mul3A_205 = arith.mulf %mul3A_192, %mul3A_99 : vector<16xf32>
    %sub3A_206 = arith.subf %get3A_204, %mul3A_205 : vector<16xf32>
    %scan3A_207 = arith.constant 0 : i32
    %scan3A_208 = arith.constant 0 : i32
    %scan3A_209 = arith.constant 640 : i32
    %scan3A_210 = arith.addi %scan3A_208, %scan3A_209 : i32
    %scan3A_211 = arith.constant 1 : i32
    %scan3A_212 = scf.for %scan3A_222 = %scan3A_208 to %scan3A_210 step %scan3A_211 iter_args(%scan3A_223 = %scan3A_207) -> (i32)  : i32 {
      %get3A_224 = arith.index_cast %scan3A_222 : i32 to index
      %get3A_225 = tpu.vector_load %arg19[%get3A_224] {strides = array<i32>} : memref<656xf32, #tpu.memory_space<vmem>>, vector<16xf32>,
      %get3A_226 = vector.shape_cast %get3A_225 : vector<16xf32> to vector<16xf32>
      %slice3A = vector.extract_strided_slice %get3A_226 {offsets = [0], sizes = [1], strides = [1]} : vector<16xf32> to vector<1xf32>
      %squeeze3A = vector.extract %slice3A[0] : f32 from vector<1xf32>
      %get3A_227 = arith.index_cast %scan3A_222 : i32 to index
      %get3A_228 = arith.constant 0 : index
      %get3A_229 = tpu.vector_load %arg15[%get3A_227, %get3A_228] {strides = array<i32>} : memref<640x32xf32, #tpu.memory_space<vmem>>, vector<1x16xf32>,
      %get3A_230 = vector.shape_cast %get3A_229 : vector<1x16xf32> to vector<16xf32>
      %mul3A_231 = vector.broadcast %squeeze3A : f32 to vector<16xf32>
      %mul3A_232 = arith.mulf %get3A_230, %mul3A_231 : vector<16xf32>
      %mul3A_233 = arith.mulf %mul3A_232, %mul3A_148 : vector<16xf32>
      %add3A_234 = arith.addf %mul3A_233, %sub3A_199 : vector<16xf32>
      %swap3A_235 = arith.index_cast %scan3A_222 : i32 to index
      %swap3A_236 = arith.constant 0 : index
      %swap3A_237 = tpu.vector_load %arg15[%swap3A_235, %swap3A_236] {strides = array<i32>} : memref<640x32xf32, #tpu.memory_space<vmem>>, vector<1x16xf32>,
      %swap3A_238 = vector.shape_cast %swap3A_237 : vector<1x16xf32> to vector<16xf32>
      %swap3A_239 = vector.shape_cast %add3A_234 : vector<16xf32> to vector<1x16xf32>
      tpu.vector_store %arg15[%swap3A_235, %swap3A_236], %swap3A_239 {strides = array<i32>} : memref<640x32xf32, #tpu.memory_space<vmem>>, vector<1x16xf32>,
      %get3A_240 = arith.index_cast %scan3A_222 : i32 to index
      %get3A_241 = arith.constant 16 : index
      %get3A_242 = tpu.vector_load %arg15[%get3A_240, %get3A_241] {strides = array<i32>} : memref<640x32xf32, #tpu.memory_space<vmem>>, vector<1x16xf32>,
      %get3A_243 = vector.shape_cast %get3A_242 : vector<1x16xf32> to vector<16xf32>
      %mul3A_244 = vector.broadcast %squeeze3A : f32 to vector<16xf32>
      %mul3A_245 = arith.mulf %get3A_243, %mul3A_244 : vector<16xf32>
      %mul3A_246 = arith.mulf %mul3A_245, %mul3A_192 : vector<16xf32>
      %add3A_247 = arith.addf %mul3A_246, %sub3A_206 : vector<16xf32>
      %swap3A_248 = arith.index_cast %scan3A_222 : i32 to index
      %swap3A_249 = arith.constant 16 : index
      %swap3A_250 = tpu.vector_load %arg15[%swap3A_248, %swap3A_249] {strides = array<i32>} : memref<640x32xf32, #tpu.memory_space<vmem>>, vector<1x16xf32>,
      %swap3A_251 = vector.shape_cast %swap3A_250 : vector<1x16xf32> to vector<16xf32>
      %swap3A_252 = vector.shape_cast %add3A_247 : vector<16xf32> to vector<1x16xf32>
      tpu.vector_store %arg15[%swap3A_248, %swap3A_249], %swap3A_252 {strides = array<i32>} : memref<640x32xf32, #tpu.memory_space<vmem>>, vector<1x16xf32>,
      %scan3A_253 = arith.constant 0 : i32
      scf.yield %scan3A_253 : i32
    }
    %scan3A_213 = arith.constant 640 : i32
    %mul3A_214 = arith.constant 32 : i32
    %mul3A_215 = arith.muli %arg0, %mul3A_214 : i32
    %lt3A = arith.constant 15 : i32
    %lt3A_216 = arith.cmpi slt, %arg1, %lt3A : i32
    %convert_element_type3A = arith.extui %lt3A_216 : i1 to i32
    %cond3A = arith.constant 0 : i32
    %cond3A_217 = arith.cmpi ne, %convert_element_type3A, %cond3A : i32
    scf.if %cond3A_217 {
      "tpu.region"() ({
        %run_scoped3A = tpu.sem_alloc : memref<!tpu.dma_semaphore, #tpu.memory_space<semaphore_mem>>
        %dma_start3A = arith.constant 0 : i32
        %dma_start3A_222 = arith.constant 0 : i32
        %dma_start3A_223 = tpu.memref_slice %arg15[%dma_start3A, %dma_start3A_222] : memref<640x32xf32, #tpu.memory_space<vmem>> -> memref<640x32xf32, #tpu.memory_space<vmem>>
        %dma_start3A_224 = tpu.memref_slice %arg6[%mul3A_0, %mul3A_215] : memref<10000x64xf32, #tpu.memory_space<hbm>> -> memref<640x32xf32, #tpu.memory_space<hbm>>
        %dma_start3A_225 = tpu.memref_slice %arg6[%mul3A_0, %mul3A_215] : memref<10000x64xf32, #tpu.memory_space<hbm>> -> memref<640x32xf32, #tpu.memory_space<hbm>>
        %dma_start3A_226 = arith.constant 0 : i32
        %dma_start3A_227 = arith.constant 0 : i32
        %dma_start3A_228 = tpu.memref_slice %arg15[%dma_start3A_226, %dma_start3A_227] : memref<640x32xf32, #tpu.memory_space<vmem>> -> memref<640x32xf32, #tpu.memory_space<vmem>>
        tpu.enqueue_dma source(%dma_start3A_228 : memref<640x32xf32, #tpu.memory_space<vmem>>) target(%dma_start3A_225 : memref<640x32xf32, #tpu.memory_space<hbm>>) target_semaphore(%run_scoped3A : memref<!tpu.dma_semaphore, #tpu.memory_space<semaphore_mem>>)
        %dma_wait3A = arith.constant 0 : i32
        %dma_wait3A_229 = arith.constant 0 : i32
        %dma_wait3A_230 = tpu.memref_slice %arg15[%dma_wait3A, %dma_wait3A_229] : memref<640x32xf32, #tpu.memory_space<vmem>> -> memref<640x32xf32, #tpu.memory_space<vmem>>
        %dma_wait3A_231 = tpu.memref_slice %arg6[%mul3A_0, %mul3A_215] : memref<10000x64xf32, #tpu.memory_space<hbm>> -> memref<640x32xf32, #tpu.memory_space<hbm>>
        %dma_wait3A_232 = tpu.memref_slice %arg6[%mul3A_0, %mul3A_215] : memref<10000x64xf32, #tpu.memory_space<hbm>> -> memref<640x32xf32, #tpu.memory_space<hbm>>
        %dma_wait3A_233 = arith.constant 0 : i32
        %dma_wait3A_234 = arith.constant 0 : i32
        %dma_wait3A_235 = tpu.memref_slice %arg15[%dma_wait3A_233, %dma_wait3A_234] : memref<640x32xf32, #tpu.memory_space<vmem>> -> memref<640x32xf32, #tpu.memory_space<vmem>>
        tpu.wait_dma2 semaphore(%run_scoped3A : memref<!tpu.dma_semaphore, #tpu.memory_space<semaphore_mem>>) src(%dma_wait3A_235 : memref<640x32xf32, #tpu.memory_space<vmem>>) dst(%dma_wait3A_232 : memref<640x32xf32, #tpu.memory_space<hbm>>)
        tpu.yield
      }) : () -> ()
    } else {
    }
    %eq3A = arith.constant 15 : i32
    %eq3A_218 = arith.cmpi eq, %arg1, %eq3A : i32
    %convert_element_type3A_219 = arith.extui %eq3A_218 : i1 to i32
    %cond3A_220 = arith.constant 0 : i32
    %cond3A_221 = arith.cmpi ne, %convert_element_type3A_219, %cond3A_220 : i32
    scf.if %cond3A_221 {
      "tpu.region"() ({
        %run_scoped3A = tpu.sem_alloc : memref<!tpu.dma_semaphore, #tpu.memory_space<semaphore_mem>>
        %dma_start3A = arith.constant 0 : i32
        %dma_start3A_222 = arith.constant 0 : i32
        %dma_start3A_223 = tpu.memref_slice %arg15[%dma_start3A, %dma_start3A_222] : memref<640x32xf32, #tpu.memory_space<vmem>> -> memref<400x32xf32, #tpu.memory_space<vmem>>
        %dma_start3A_224 = tpu.memref_slice %arg6[%mul3A_0, %mul3A_215] : memref<10000x64xf32, #tpu.memory_space<hbm>> -> memref<400x32xf32, #tpu.memory_space<hbm>>
        %dma_start3A_225 = tpu.memref_slice %arg6[%mul3A_0, %mul3A_215] : memref<10000x64xf32, #tpu.memory_space<hbm>> -> memref<400x32xf32, #tpu.memory_space<hbm>>
        %dma_start3A_226 = arith.constant 0 : i32
        %dma_start3A_227 = arith.constant 0 : i32
        %dma_start3A_228 = tpu.memref_slice %arg15[%dma_start3A_226, %dma_start3A_227] : memref<640x32xf32, #tpu.memory_space<vmem>> -> memref<400x32xf32, #tpu.memory_space<vmem>>
        tpu.enqueue_dma source(%dma_start3A_228 : memref<400x32xf32, #tpu.memory_space<vmem>>) target(%dma_start3A_225 : memref<400x32xf32, #tpu.memory_space<hbm>>) target_semaphore(%run_scoped3A : memref<!tpu.dma_semaphore, #tpu.memory_space<semaphore_mem>>)
        %dma_wait3A = arith.constant 0 : i32
        %dma_wait3A_229 = arith.constant 0 : i32
        %dma_wait3A_230 = tpu.memref_slice %arg15[%dma_wait3A, %dma_wait3A_229] : memref<640x32xf32, #tpu.memory_space<vmem>> -> memref<400x32xf32, #tpu.memory_space<vmem>>
        %dma_wait3A_231 = tpu.memref_slice %arg6[%mul3A_0, %mul3A_215] : memref<10000x64xf32, #tpu.memory_space<hbm>> -> memref<400x32xf32, #tpu.memory_space<hbm>>
        %dma_wait3A_232 = tpu.memref_slice %arg6[%mul3A_0, %mul3A_215] : memref<10000x64xf32, #tpu.memory_space<hbm>> -> memref<400x32xf32, #tpu.memory_space<hbm>>
        %dma_wait3A_233 = arith.constant 0 : i32
        %dma_wait3A_234 = arith.constant 0 : i32
        %dma_wait3A_235 = tpu.memref_slice %arg15[%dma_wait3A_233, %dma_wait3A_234] : memref<640x32xf32, #tpu.memory_space<vmem>> -> memref<400x32xf32, #tpu.memory_space<vmem>>
        tpu.wait_dma2 semaphore(%run_scoped3A : memref<!tpu.dma_semaphore, #tpu.memory_space<semaphore_mem>>) src(%dma_wait3A_235 : memref<400x32xf32, #tpu.memory_space<vmem>>) dst(%dma_wait3A_232 : memref<400x32xf32, #tpu.memory_space<hbm>>)
        tpu.yield
      }) : () -> ()
    } else {
    }
    return
  }
}

module attributes {stable_mosaic.version = 14 : i64} {
  func.func @_mm_body(%arg0: i32, %arg1: i32, %arg2: memref<2048x256xf32, #tpu.memory_space<vmem>>, %arg3: memref<32x256xf32, #tpu.memory_space<vmem>>, %arg4: memref<1x1x32xf32, #tpu.memory_space<vmem>>, %arg5: memref<1x2048x32xf32, #tpu.memory_space<vmem>>) attributes {dimension_semantics = [#tpu.dimension_semantics<arbitrary>, #tpu.dimension_semantics<arbitrary>], iteration_bounds = array<i64: 5, 2>, scalar_prefetch = 0 : i64, scratch_operands = 0 : i64, tpu.core_type = #tpu.core_type<tc>, window_params = [{transform_indices = @transform_0, window_bounds = array<i64: 2048, 256>}, {transform_indices = @transform_1, window_bounds = array<i64: 32, 256>}, {transform_indices = @transform_2, window_bounds = array<i64: 1, 1, 32>}, {transform_indices = @transform_3, window_bounds = array<i64: 1, 2048, 32>}]} {
    %get3A = arith.constant 0 : index
    %get3A_0 = arith.constant 0 : index
    %get3A_1 = vector.load %arg2[%get3A, %get3A_0] : memref<2048x256xf32, #tpu.memory_space<vmem>>, vector<2048x256xf32>
    %get3A_2 = arith.constant 0 : index
    %get3A_3 = arith.constant 0 : index
    %get3A_4 = vector.load %arg3[%get3A_2, %get3A_3] : memref<32x256xf32, #tpu.memory_space<vmem>>, vector<32x256xf32>
    %dot_general3A = arith.constant dense<0.000000e+00> : vector<2048x32xf32>
    %dot_general3A_5 = tpu.matmul %get3A_1, %get3A_4, %dot_general3A {dimension_numbers = #tpu.dot_dimension_numbers<[1], [1], [0], [0], [0, 0, 1, 0], [], []>, transpose_lhs_hint = false} : vector<2048x256xf32>, vector<32x256xf32>, vector<2048x32xf32> -> vector<2048x32xf32>
    %mul3A = arith.constant 2048 : i32
    %mul3A_6 = arith.muli %arg0, %mul3A : i32
    %iota3A = tpu.iota {dimensions = array<i32: 0>} : vector<2048x32xi32>
    %add3A = vector.broadcast %mul3A_6 : i32 to vector<2048x32xi32>
    %add3A_7 = arith.addi %add3A, %iota3A : vector<2048x32xi32>
    %lt3A = arith.constant 10000 : i32
    %lt3A_8 = vector.broadcast %lt3A : i32 to vector<2048x32xi32>
    %lt3A_9 = arith.cmpi slt, %add3A_7, %lt3A_8 : vector<2048x32xi32>
    %get3A_10 = arith.constant 0 : index
    %get3A_11 = arith.constant 0 : index
    %get3A_12 = arith.constant 0 : index
    %get3A_13 = vector.load %arg4[%get3A_10, %get3A_11, %get3A_12] : memref<1x1x32xf32, #tpu.memory_space<vmem>>, vector<1x1x32xf32>
    %get3A_14 = vector.shape_cast %get3A_13 : vector<1x1x32xf32> to vector<1x32xf32>
    %add3A_15 = vector.broadcast %get3A_14 : vector<1x32xf32> to vector<2048x32xf32>
    %add3A_16 = arith.addf %dot_general3A_5, %add3A_15 : vector<2048x32xf32>
    %jit3A = arith.constant 0.000000e+00 : f32
    %broadcast_in_dim3A = vector.broadcast %jit3A : f32 to vector<2048x32xf32>
    %select_n3A = arith.select %lt3A_9, %add3A_16, %broadcast_in_dim3A : vector<2048x32xi1>, vector<2048x32xf32>
    %broadcast_in_dim3A_17 = vector.shape_cast %select_n3A : vector<2048x32xf32> to vector<1x2048x32xf32>
    %swap3A = arith.constant 0 : index
    %swap3A_18 = arith.constant 0 : index
    %swap3A_19 = arith.constant 0 : index
    %swap3A_20 = vector.load %arg5[%swap3A, %swap3A_18, %swap3A_19] : memref<1x2048x32xf32, #tpu.memory_space<vmem>>, vector<1x2048x32xf32>
    tpu.vector_store %arg5[%swap3A, %swap3A_18, %swap3A_19], %broadcast_in_dim3A_17 {strides = array<i32>} : memref<1x2048x32xf32, #tpu.memory_space<vmem>>, vector<1x2048x32xf32>,
    return
  }
  func.func @transform_0(%arg0: i32, %arg1: i32) -> (i32, i32) {
    %c0_i32 = arith.constant 0 : i32
    %c0_i32_0 = arith.constant 0 : i32
    return %arg0, %c0_i32 : i32, i32
  }
  func.func @transform_1(%arg0: i32, %arg1: i32) -> (i32, i32) {
    %c0_i32 = arith.constant 0 : i32
    %c0_i32_0 = arith.constant 0 : i32
    return %arg1, %c0_i32 : i32, i32
  }
  func.func @transform_2(%arg0: i32, %arg1: i32) -> (i32, i32, i32) {
    %c0_i32 = arith.constant 0 : i32
    %c0_i32_0 = arith.constant 0 : i32
    %c0_i32_1 = arith.constant 0 : i32
    return %arg1, %c0_i32, %c0_i32_0 : i32, i32, i32
  }
  func.func @transform_3(%arg0: i32, %arg1: i32) -> (i32, i32, i32) {
    %c0_i32 = arith.constant 0 : i32
    %c0_i32_0 = arith.constant 0 : i32
    return %arg1, %arg0, %c0_i32 : i32, i32, i32
  }
}

</mosaic_0001>

<sc_bundles>
// kernel: kernel.4.cloned.1.call-start
scs
__scs_entry_jumppad:
0x0: {  	(pc) =	sbr.rel $0x88, $3  }
0x1: {  	(tag) =	ssettag $0x0;
	lr =	simm.s32 $0x1  }
0x2: {  	[smem:$0x3F9B] =	sst lr;
	_ =	strace $0xD0000000  }
0x3: {  	_ = 	snop  }
0x4: {  	_ = 	snop  }
0x5: {  	_ = 	snop  }
0x6: {  	_ = 	snop  }
0x7: {  	_ = 	snop  }
__scs_overlays_trampoline_lowered:
0x8: {  	[smem:$0x3FAA] =	sst s0  }
0x9: {  	[smem:$0x3FAB] =	sst s1  }
0xa: {  	[smem:$0x3FAC] =	sst s2  }
0xb: {  	[smem:$0x3FAD] =	sst s3  }
0xc: {  	[smem:$0x3FAE] =	sst s4  }
0xd: {  	[smem:$0x3FAF] =	sst s5  }
0xe: {  	[smem:$0x3FB0] =	sst s6  }
0xf: {  	[smem:$0x3FB1] =	sst s7  }
0x10: {  	[smem:$0x3FB2] =	sst s8  }
0x11: {  	[smem:$0x3FB3] =	sst s9;
	s0 =	simm.s32 @!p0 $0x0  }
0x12: {  	s1 =	sld [smem:$0x3F99];
	s0 =	simm.s32 @p0 $0x1  }
0x13: {  	[smem:$0x3FB4] =	sst s0;
	s0 =	simm.s32 @!p1 $0x0  }
0x14: {  	s2 =	sld [smem:$0x3F98];
	s0 =	simm.s32 @p1 $0x1  }
0x15: {  	[smem:$0x3FB5] =	sst s0;
	s0 =	simm.s32 @!p2 $0x0  }
0x16: {  	s3 =	sld [smem:$0x3FDB];
	s0 =	simm.s32 @p2 $0x1  }
0x17: {  	s4 =	simm.s32 $0x1BF5;
	[smem:$0x3FB7] =	sst s0  }
0x18: {  	s0 =	sld [smem:$0x3F9A];
	_ =	swait.ge [sflag:s4], $0x0  }
0x19: {  	s7 =	sld [smem:$0x3F9B]  }
0x1a: {  	s8 =	sadd.s32 $0xFFFFE003, lr  }
0x1b: {  	s9 =	sadd.s32 $0xFFFFFEF7, lr;
	s5 =	simm.s32 $0xFFFFFFFF;
	p2 =	slt.u32 s8, $0xFFFFF086  }
0x1c: {  	p1 =	slt.u32 s9, $0xF7A;
	s5 =	simm.s32 @!p2 $0x0  }
0x1d: {  	s5 =	simm.s32 @p1 $0x1;
	p0 =	seq.s32 s7, s2  }
0x1e: {  	s7 =	smul.u32 @!p0 $0xF7A, s2;
	p2 =	seq.s32 @!p0 s5, $0x0  }
0x1f: {  	s9 =	smul.u32 $0xF7A, s1;
	s8 =	simm.s32 @!p0 $0x1BF5;
	p2 =	por !p2, p0  }
0x20: {  	[sflag:s8] =	ssyncset.s32 @!p0 $0xFFFFF086;
	s6 =	sadd.s32 @!p0 s3, s7;
	s7 =	simm.s32 @!p0 $0x108  }
0x21: {  	s3 =	sadd.s32 s3, s9;
	s6 =	sadd.s32 @!p0 $0x88, s6;
	s7 =	simm.s32 @p2 $0x1082  }
0x22: {  	[simem:s7], [sflag:s8] =	dma.local @!p0 [hbm:s6], $0xF7A  }
0x23: {  	s9 =	sor.u32 $0xD0000000, s2;
	s6 =	simm.s32 $0x108;
	_ =	swait.ge @!p0 [sflag:s8], $0x0  }
0x24: {  	s3 =	sadd.s32 $0x88, s3;
	s6 =	simm.s32 @!p1 $0x1082;
	[sflag:s4] =	ssyncset.s32 $0xFFFFF086  }
0x25: {  	[simem:s6], [sflag:s4] =	dma.local [hbm:s3], $0xF7A  }
0x26: {  	[smem:$0x3F9B] =	sst s1;
	(tag) =	ssettag s2;
	_ =	strace s9  }
0x27: {  	s1 =	sld [smem:$0x3FAB]  }
0x28: {  	s2 =	sld [smem:$0x3FAC]  }
0x29: {  	s4 =	sld [smem:$0x3FAE]  }
0x2a: {  	p0 =	seq.s32 s5, $0x0;
	s5 =	sld [smem:$0x3FAF]  }
0x2b: {  	s6 =	sld [smem:$0x3FB0]  }
0x2c: {  	s7 =	sld [smem:$0x3FB1]  }
0x2d: {  	s3 =	simm.s32 $0x108;
	s8 =	sld [smem:$0x3FB2]  }
0x2e: {  	s3 =	simm.s32 @!p0 $0x1082;
	s9 =	sld [smem:$0x3FB3]  }
0x2f: {  	lr =	sadd.s32 s0, s3;
	s0 =	sld [smem:$0x3FAA]  }
0x30: {  	s3 =	sld [smem:$0x3FAD]  }
0x31: {  	[smem:$0x3FB6] =	sst s10  }
0x32: {  	s10 =	sld [smem:$0x3FB4];
	_ =	sdelay $0x3  }
0x33: {  	p0 =	seq.s32 s10, $0x1;
	s10 =	sld [smem:$0x3FB6];
	_ =	sdelay $0x3  }
0x34: {  	[smem:$0x3FB6] =	sst s10  }
0x35: {  	s10 =	sld [smem:$0x3FB5];
	_ =	sdelay $0x3  }
0x36: {  	p1 =	seq.s32 s10, $0x1;
	s10 =	sld [smem:$0x3FB6];
	_ =	sdelay $0x3  }
0x37: {  	[smem:$0x3FB6] =	sst s10  }
0x38: {  	s10 =	sld [smem:$0x3FB7]  }
0x39: {  	_ = 	snop;
	(pc) =	sbr.ind lr, $3  }
0x3a: {  	_ = 	snop  }
0x3b: {  	_ = 	snop  }
0x3c: {  	p2 =	seq.s32 s10, $0x1;
	s10 =	sld [smem:$0x3FB6]  }
0x3d: {  	_ =	shalt  }
0x3e: {  	_ =	shalt  }
0x3f: {  	_ =	shalt  }
0x40: {  	_ =	shalt  }
0x41: {  	_ =	shalt  }
0x42: {  	_ =	shalt  }
0x43: {  	_ =	shalt  }
0x44: {  	_ =	shalt  }
0x45: {  	_ =	shalt  }
0x46: {  	_ =	shalt  }
0x47: {  	_ =	shalt  }
0x48: {  	_ =	shalt  }
0x49: {  	_ =	shalt  }
0x4a: {  	_ =	shalt  }
0x4b: {  	_ =	shalt  }
0x4c: {  	_ =	shalt  }
0x4d: {  	_ =	shalt  }
0x4e: {  	_ =	shalt  }
0x4f: {  	_ =	shalt  }
0x50: {  	_ =	shalt  }
0x51: {  	_ =	shalt  }
0x52: {  	_ =	shalt  }
0x53: {  	_ =	shalt  }
0x54: {  	_ =	shalt  }
0x55: {  	_ =	shalt  }
0x56: {  	_ =	shalt  }
0x57: {  	_ =	shalt  }
0x58: {  	_ =	shalt  }
0x59: {  	_ =	shalt  }
0x5a: {  	_ =	shalt  }
0x5b: {  	_ =	shalt  }
0x5c: {  	_ =	shalt  }
0x5d: {  	_ =	shalt  }
0x5e: {  	_ =	shalt  }
0x5f: {  	_ =	shalt  }
0x60: {  	_ =	shalt  }
0x61: {  	_ =	shalt  }
0x62: {  	_ =	shalt  }
0x63: {  	_ =	shalt  }
0x64: {  	_ =	shalt  }
0x65: {  	_ =	shalt  }
0x66: {  	_ =	shalt  }
0x67: {  	_ =	shalt  }
0x68: {  	_ =	shalt  }
0x69: {  	_ =	shalt  }
0x6a: {  	_ =	shalt  }
0x6b: {  	_ =	shalt  }
0x6c: {  	_ =	shalt  }
0x6d: {  	_ =	shalt  }
0x6e: {  	_ =	shalt  }
0x6f: {  	_ =	shalt  }
0x70: {  	_ =	shalt  }
0x71: {  	_ =	shalt  }
0x72: {  	_ =	shalt  }
0x73: {  	_ =	shalt  }
0x74: {  	_ =	shalt  }
0x75: {  	_ =	shalt  }
0x76: {  	_ =	shalt  }
0x77: {  	_ =	shalt  }
0x78: {  	_ =	shalt  }
0x79: {  	_ =	shalt  }
0x7a: {  	_ =	shalt  }
0x7b: {  	_ =	shalt  }
0x7c: {  	_ =	shalt  }
0x7d: {  	_ =	shalt  }
0x7e: {  	_ =	shalt  }
0x7f: {  	_ =	shalt  }
0x80: {  	_ =	shalt  }
0x81: {  	_ =	shalt  }
0x82: {  	_ =	shalt  }
0x83: {  	_ =	shalt  }
0x84: {  	_ =	shalt  }
0x85: {  	_ =	shalt  }
0x86: {  	_ =	shalt  }
0x87: {  	_ =	shalt  }
.Lfunc_end0:
.L_simem_size_0:
called_computation_lowered:
.L_overlay_start_0:
0x88: {  	s2 =	sld [smem:$0x3FD9]  }
0x89: {  	s3 =	sld [smem:$0x3FFE];
	_ =	sdelay $0x1  }
0x8a: {  	s1 =	srdreg.scid  }
0x8b: {  	s0 =	sand.u32 $0x1, s1  }
0x8c: {  	s17 =	sshll.u32 s0, $0xA;
	s2 =	sadd.s32 s3, s2  }
0x8d: {  	s2 =	sadd.s32 s2, s17  }
0x8e: {  	[smem:$0x3FC2] =	sst s2  }
0x8f: {  	_ = 	snop  }
0x90: {  	s2 =	sld [smem:$0x3FD0];
	(tm) =	ssettm $0x1  }
0x91: {  	s18 =	sld [smem:$0x3FFB];
	_ =	sdelay $0x3  }
0x92: {  	_ =	strace s18  }
0x93: {  	s3 =	sld [smem:$0x3FFC];
	_ =	sdelay $0x3  }
0x94: {  	_ =	strace s3  }
0x95: {  	s3 =	sld [smem:$0x3FFD];
	_ =	sdelay $0x3  }
0x96: {  	_ =	strace s3  }
0x97: {  	_ =	strace $0x8FFFFFFF  }
0x98: {  	s19 =	sld [smem:$0x3FDB];
	_ =	sdelay $0x1  }
0x99: {  	s4 =	simm.s32 $_scs_section_size  }
0x9a: {  	s5 =	simm.s32 $_size__tile_overlayer_lowered;
	s6 =	simm.s32 $_tile_overlayer_lowered  }
0x9b: {  	s22 =	simm.s32 $0x1BFF;
	s21 =	sshll.u32 s6, $0x1;
	s3 =	sadd.s32 s4, s19  }
0x9c: {  	s7 =	simm.s32 $0x0;
	s20 =	sshll.u32 s5, $0x1;
	s5 =	sadd.s32 s21, s3  }
0x9d: {  	[timem:s7], [sflag:s22] =	dma.local [hbm:s5], s20  }
0x9e: {  	_ =	swait.ge [sflag:s22], s20  }
0x9f: {  	s4 =	ssub.s32 $0x0, s20;
	[sflag:s22] =	ssyncset.done $0x0  }
0xa0: {  	[sflag:s22] =	ssyncadd.s32 s4;
	_ =	sdelay $0x1  }
0xa1: {  	s23 =	simm.s32 $0x1B8B  }
0xa2: {  	_ =	swait.ge [sflag:s23], $0x1  }
0xa3: {  	[sflag:s23] =	ssyncset.done $0x0  }
0xa4: {  	s25 =	simm.s32 $0x1B8E;
	s24 =	sld [smem:$0x3FFE];
	[sflag:s23] =	ssyncadd.s32 $0xFFFFFFFF  }
0xa5: {  	s26 =	simm.s32 $execute0_lowered;
	[smem:$0x3FD2] =	sst s25  }
0xa6: {  	s5 =	sshll.u32 s26, $0x1;
	_ =	strace $0x80000046;
	[dreg:$0x1] =	wrdreg $0xFFFFFFFF  }
0xa7: {  	s28 =	simm.s32 $_size_execute0_lowered;
	s3 =	sadd.s32 s3, s5;
	[dreg:$0x0] =	wrdreg $0x0  }
0xa8: {  	s5 =	sshll.u32 s28, $0x1;
	[dreg:$0x2] =	wrdreg s3  }
0xa9: {  	[dreg:$0x3] =	wrdreg s5  }
0xaa: {  	[dreg:$0x4] =	wrdreg $0xC0  }
0xab: {  	_ =	task [dreg:s7], $0x5FFFF  }
0xac: {  	[dreg:$0x1] =	wrdreg $0xFFFFFFFF  }
0xad: {  	[dreg:$0x0] =	wrdreg $0x60  }
0xae: {  	[dreg:$0x2] =	wrdreg s24  }
0xaf: {  	[dreg:$0x3] =	wrdreg s2  }
0xb0: {  	[dreg:$0x4] =	wrdreg $0xA0000  }
0xb1: {  	[dreg:$0x5] =	wrdreg $0x50000  }
0xb2: {  	[dreg:$0x6] =	wrdreg $0x0  }
0xb3: {  	[dreg:$0x7] =	wrdreg $0xA2800  }
0xb4: {  	[dreg:$0x8] =	wrdreg $0x9  }
0xb5: {  	_ =	task.clear_ibuf [dreg:s7], $0x9FFFF;
	_ =	strace $0x90000046  }
0xb6: {  	s29 =	simm.s32 $0x9;
	_ =	strace $0x80000048  }
0xb7: {  	_ =	swait.ge [sflag:s29], $0x1  }
0xb8: {  	[sflag:s29] =	ssyncadd.s32 $0xFFFFFFFF  }
0xb9: {  	_ =	strace $0x90000048  }
0xba: {  	_ =	sfence  }
0xbb: {  	s30 =	sld [smem:$0x0];
	_ =	sdelay $0x2  }
0xbc: {  	s31 =	sshll.u32 s1, $0xD;
	s1 =	sshrl.u32 s1, $0x2  }
0xbd: {  	s3 =	sand.u32 $0x4000, s31;
	s1 =	sadd.s32 s1, s30  }
0xbe: {  	s0 =	sor.u32 s3, s0;
	s1 =	sshll.u32 s1, $0x11  }
0xbf: {  	s0 =	sor.u32 s1, s0  }
0xc0: {  	s0 =	sadd.s32 $0x8F2B, s0  }
0xc1: {  	[sflag:s0] =	ssyncadd.remote.s32 $0x1  }
0xc2: {  	_ =	sfence.sel $0xFFFF  }
0xc3: {  	[dreg:$0x0] =	wrdreg $0xFFFFFFFF;
	(pc) =	sbr.abs _section_cstart, $3  }
0xc4: {  	[dreg:$0x1] =	wrdreg $0xFFFFFFFF  }
0xc5: {  	_ =	task.clear_ibuf [dreg:s7], $0x2FFFF;
	_ =	strace $0x9FFFFFFF  }
0xc6: {  	(tm) =	ssettm $0x7FFFFFFF  }
0xc7: {  	_ =	shalt  }
tec
execute0_lowered:
.L_overlay_start_1:
0x0: {  	(tag) =	ssettag $0x1  }
0x1: {  	s0 =	rddreg [dreg:$0x0]  }
0x2: {  	s1 =	rddreg [dreg:$0x1]  }
0x3: {  	s12 =	rddreg [dreg:$0x2]  }
0x4: {  	s2 =	rddreg [dreg:$0x3]  }
0x5: {  	s4 =	rddreg [dreg:$0x4]  }
0x6: {  	s11 =	rddreg [dreg:$0x5]  }
0x7: {  	s5 =	simm.s32 $0x0;
	s10 =	stileid.u32;
	s3 =	srdreg.scid  }
0x8: {  	[smem:$0x7FF] =	sst s5;
	s19 =	smul.u32 $0x500, s10  }
0x9: {  	s3 =	sand.u32 $0x1, s3;
	s7 =	sadd.s32 $0x600, s0;
	s20 =	smul.u32 $0x14000, s10  }
0xa: {  	s22 =	smul.u32 $0x5000, s10;
	s26 =	sshll.u32 s10, $0x6;
	_ =	strace $0x80000047  }
0xb: {  	s6 =	ssub.s32 $0x2, s3;
	s8 =	sshll.u32 s3, $0x3;
	s14 =	smul.u32 $0x50000, s3  }
0xc: {  	s25 =	sshll.u32 s3, $0x5;
	s5 =	sadd.s32 s19, s0;
	s24 =	sadd.s32 s22, s4  }
0xd: {  	s3 =	sshll.u32 s3, $0x2;
	s13 =	sadd.s32 $0x14600, s5;
	[dreg:$0xc] =	wrdreg s24  }
0xe: {  	s0 =	sadd.s32 s8, s0;
	s5 =	sadd.s32 $0x19600, s5;
	[dreg:$0x7] =	wrdreg s13  }
0xf: {  	s3 =	sadd.s32 s3, s1;
	s0 =	sadd.s32 $0x1E600, s0;
	[dreg:$0x8] =	wrdreg s5  }
0x10: {  	s21 =	sshrl.u32 s20, $0x2;
	s29 =	sadd.s32 $0x12C00, s3;
	[dreg:$0x9] =	wrdreg s0  }
0x11: {  	s9 =	sshrl.u32 s6, $0x1;
	s15 =	sadd.s32 s21, s2;
	[dreg:$0xf] =	wrdreg s29  }
0x12: {  	s6 =	ssub.s32 s6, s9;
	s5 =	sadd.s32 s26, s11;
	[dreg:$0xb] =	wrdreg s15  }
0x13: {  	s30 =	smax.u32 s6, $0x1;
	[dreg:$0xd] =	wrdreg s5  }
0x14: {  	s3 =	sadd.s32 $0x800, s15;
	[dreg:$0x10] =	wrdreg s30  }
0x15: {  	s23 =	smul.u32 $0xA000, s10;
	s6 =	sadd.s32 $0x1000, s15;
	[dreg:$0x12] =	wrdreg s3  }
0x16: {  	p0 =	seq.s32 s10, $0xF;
	s9 =	sadd.s32 $0x1400, s15;
	[dreg:$0x14] =	wrdreg s6  }
0x17: {  	s8 =	smul.u32 $0x280, s10;
	s10 =	sadd.s32 $0x1800, s15;
	[dreg:$0x15] =	wrdreg s9  }
0x18: {  	s11 =	sadd.s32 $0x1C00, s15;
	[dreg:$0x16] =	wrdreg s10  }
0x19: {  	s17 =	sadd.s32 $0x2000, s15;
	[dreg:$0x17] =	wrdreg s11  }
0x1a: {  	s18 =	sadd.s32 $0x2400, s15;
	[dreg:$0x18] =	wrdreg s17  }
0x1b: {  	s19 =	sadd.s32 $0x2800, s15;
	[dreg:$0x19] =	wrdreg s18  }
0x1c: {  	s20 =	sadd.s32 $0x2C00, s15;
	[dreg:$0x1a] =	wrdreg s19  }
0x1d: {  	s28 =	simm.s32 $0xF2C0;
	s21 =	sadd.s32 $0x3000, s15;
	[dreg:$0x1b] =	wrdreg s20  }
0x1e: {  	s16 =	sadd.s32 s22, s2;
	s22 =	sadd.s32 $0x3400, s15;
	[dreg:$0x1c] =	wrdreg s21  }
0x1f: {  	s0 =	sor.u32 s25, s23;
	s23 =	sadd.s32 $0x3800, s15;
	[dreg:$0x1d] =	wrdreg s22  }
0x20: {  	s31 =	simm.s32 $0x112C0;
	s24 =	sadd.s32 $0x3C00, s15;
	[dreg:$0x1e] =	wrdreg s23  }
0x21: {  	s13 =	sadd.s32 s8, s12;
	s25 =	sadd.s32 $0x4000, s15;
	[dreg:$0x1f] =	wrdreg s24  }
0x22: {  	s26 =	sadd.s32 $0x4400, s15;
	s29 =	sadd.s32 $0x4800, s15;
	[smem:$0x7FA] =	sst s25  }
0x23: {  	s0 =	sshrl.u32 s0, $0x3;
	s5 =	sadd.s32 $0xC00, s15;
	[smem:$0x7FB] =	sst s26  }
0x24: {  	[smem:$0x7FC] =	sst s29;
	s30 =	sadd.s32 $0x4C00, s15;
	s19 =	simm.s32 $0xA2C0  }
0x25: {  	s20 =	simm.s32 $0x3;
	s21 =	simm.s32 $0xCAC0;
	s23 =	simm.s32 $0x132C0  }
0x26: {  	s24 =	simm.s32 $0x7D;
	s17 =	simm.s32 $0x1DE70;
	s26 =	simm.s32 $0x2  }
0x27: {  	s22 =	simm.s32 $0x102C0;
	s9 =	simm.s32 $0xF140;
	[dreg:$0xa] =	wrdreg s13  }
0x28: {  	s10 =	simm.s32 $0xF1C0;
	s11 =	simm.s32 $0xF240;
	[dreg:$0x13] =	wrdreg s5  }
0x29: {  	s6 =	simm.s32 $0x0;
	s0 =	sadd.s32 s1, s0;
	[smem:$0x7FD] =	sst s30  }
0x2a: {  	s1 =	sadd.s32 $0x400, s15;
	s15 =	simm.s32 $0x1D6C0;
	[dreg:$0xe] =	wrdreg s0  }
0x2b: {  	v0 =	vimm.f32 $0.0e+00;
	v1 =	vimm.f32 $1.000000000e+00;
	s5 =	simm.s32 $0x122C0;
	[dreg:$0x11] =	wrdreg s1;
	s0 =	simm.s32 $0x1  }
.LBB2_1:
0x2c: {  	[smem:$0x7F9] =	sst s6  }
0x2d: {  	s1 =	simm.s32 $0x0;
	s3 =	rddreg [dreg:$0x7]  }
0x2e: {  	[tilespmem:s19], [sflag:$0x3] =	stream.linear.gather [hbm4b:s3+s1], $0x2800, $0x38;
	[tilespmem:$0x1E370] =	vst v63  }
0x2f: {  	_ =	swait.ge [sflag:s20], $0x2800  }
0x30: {  	[sflag:s20] =	ssyncset.done $0x0  }
0x31: {  	s6 =	rddreg [dreg:$0x8];
	[sflag:s20] =	ssyncadd.s32 $0xFFFFD800  }
0x32: {  	[tilespmem:s21], [sflag:$0x3] =	stream.linear.gather [hbm4b:s6+s1], $0x2800, $0x38;
	[tilespmem:$0x1E370] =	vst v63  }
0x33: {  	_ =	swait.ge [sflag:s20], $0x2800  }
0x34: {  	[sflag:s20] =	ssyncset.done $0x0  }
0x35: {  	s25 =	simm.s32 $0x1E330;
	s18 =	rddreg [dreg:$0x9];
	[sflag:s20] =	ssyncadd.s32 $0xFFFFD800  }
0x36: {  	[tilespmem:s25], [sflag:$0x3] =	stream.linear.gather [hbm4b:s18+s1], $0x40, $0x38;
	[tilespmem:$0x1E370] =	vst v63  }
0x37: {  	_ =	swait.ge [sflag:s20], $0x40  }
0x38: {  	[sflag:s20] =	ssyncset.done $0x0  }
0x39: {  	[sflag:s20] =	ssyncadd.s32 $0xFFFFFFC0  }
0x3a: {  	[tilespmem:$0x132C0] =	vst v0  }
0x3b: {  	[tilespmem:$0x132D0] =	vst v0  }
0x3c: {  	[tilespmem:$0x132E0] =	vst v0  }
0x3d: {  	[tilespmem:$0x132F0] =	vst v0  }
0x3e: {  	[tilespmem:$0x13300] =	vst v0  }
0x3f: {  	[tilespmem:$0x13310] =	vst v0  }
0x40: {  	[tilespmem:$0x13320] =	vst v0  }
0x41: {  	[tilespmem:$0x13330] =	vst v0  }
0x42: {  	[tilespmem:$0x13340] =	vst v0  }
0x43: {  	[tilespmem:$0x13350] =	vst v0  }
0x44: {  	[tilespmem:$0x13360] =	vst v0  }
0x45: {  	[tilespmem:$0x13370] =	vst v0  }
0x46: {  	[tilespmem:$0x13380] =	vst v0  }
0x47: {  	[tilespmem:$0x13390] =	vst v0  }
0x48: {  	[tilespmem:$0x133A0] =	vst v0  }
0x49: {  	[tilespmem:$0x133B0] =	vst v0  }
0x4a: {  	[tilespmem:$0x133C0] =	vst v0  }
0x4b: {  	[tilespmem:$0x133D0] =	vst v0  }
0x4c: {  	[tilespmem:$0x133E0] =	vst v0  }
0x4d: {  	[tilespmem:$0x133F0] =	vst v0  }
0x4e: {  	[tilespmem:$0x13400] =	vst v0  }
0x4f: {  	[tilespmem:$0x13410] =	vst v0  }
0x50: {  	[tilespmem:$0x13420] =	vst v0  }
0x51: {  	[tilespmem:$0x13430] =	vst v0  }
0x52: {  	[tilespmem:$0x13440] =	vst v0  }
0x53: {  	[tilespmem:$0x13450] =	vst v0  }
0x54: {  	[tilespmem:$0x13460] =	vst v0  }
0x55: {  	[tilespmem:$0x13470] =	vst v0  }
0x56: {  	[tilespmem:$0x13480] =	vst v0  }
0x57: {  	[tilespmem:$0x13490] =	vst v0  }
0x58: {  	[tilespmem:$0x134A0] =	vst v0  }
0x59: {  	[tilespmem:$0x134B0] =	vst v0  }
0x5a: {  	[tilespmem:$0x134C0] =	vst v0  }
0x5b: {  	[tilespmem:$0x134D0] =	vst v0  }
0x5c: {  	[tilespmem:$0x134E0] =	vst v0  }
0x5d: {  	[tilespmem:$0x134F0] =	vst v0  }
0x5e: {  	[tilespmem:$0x13500] =	vst v0  }
0x5f: {  	[tilespmem:$0x13510] =	vst v0  }
0x60: {  	[tilespmem:$0x13520] =	vst v0  }
0x61: {  	[tilespmem:$0x13530] =	vst v0  }
0x62: {  	[tilespmem:$0x13540] =	vst v0  }
0x63: {  	[tilespmem:$0x13550] =	vst v0  }
0x64: {  	[tilespmem:$0x13560] =	vst v0  }
0x65: {  	[tilespmem:$0x13570] =	vst v0  }
0x66: {  	[tilespmem:$0x13580] =	vst v0  }
0x67: {  	[tilespmem:$0x13590] =	vst v0  }
0x68: {  	[tilespmem:$0x135A0] =	vst v0  }
0x69: {  	[tilespmem:$0x135B0] =	vst v0  }
0x6a: {  	[tilespmem:$0x135C0] =	vst v0  }
0x6b: {  	[tilespmem:$0x135D0] =	vst v0  }
0x6c: {  	[tilespmem:$0x135E0] =	vst v0  }
0x6d: {  	[tilespmem:$0x135F0] =	vst v0  }
0x6e: {  	[tilespmem:$0x13600] =	vst v0  }
0x6f: {  	[tilespmem:$0x13610] =	vst v0  }
0x70: {  	[tilespmem:$0x13620] =	vst v0  }
0x71: {  	[tilespmem:$0x13630] =	vst v0  }
0x72: {  	[tilespmem:$0x13640] =	vst v0  }
0x73: {  	[tilespmem:$0x13650] =	vst v0  }
0x74: {  	[tilespmem:$0x13660] =	vst v0  }
0x75: {  	[tilespmem:$0x13670] =	vst v0  }
0x76: {  	[tilespmem:$0x13680] =	vst v0  }
0x77: {  	[tilespmem:$0x13690] =	vst v0  }
0x78: {  	[tilespmem:$0x136A0] =	vst v0  }
0x79: {  	[tilespmem:$0x136B0] =	vst v0  }
0x7a: {  	[tilespmem:$0x1D6C0] =	vst v0  }
0x7b: {  	[tilespmem:$0x1D6D0] =	vst v0  }
0x7c: {  	[tilespmem:$0x1D6E0] =	vst v0  }
0x7d: {  	[tilespmem:$0x1D6F0] =	vst v0  }
0x7e: {  	[tilespmem:$0x1D700] =	vst v0  }
0x7f: {  	[tilespmem:$0x1D710] =	vst v0  }
0x80: {  	[tilespmem:$0x1D720] =	vst v0  }
0x81: {  	[tilespmem:$0x1D730] =	vst v0  }
0x82: {  	[tilespmem:$0x1D740] =	vst v0  }
0x83: {  	[tilespmem:$0x1D750] =	vst v0  }
0x84: {  	[tilespmem:$0x1D760] =	vst v0  }
0x85: {  	[tilespmem:$0x1D770] =	vst v0  }
0x86: {  	[tilespmem:$0x1D780] =	vst v0  }
0x87: {  	[tilespmem:$0x1D790] =	vst v0  }
0x88: {  	[tilespmem:$0x1D7A0] =	vst v0  }
0x89: {  	[tilespmem:$0x1D7B0] =	vst v0  }
0x8a: {  	[tilespmem:$0x1D7C0] =	vst v0  }
0x8b: {  	[tilespmem:$0x1D7D0] =	vst v0  }
0x8c: {  	[tilespmem:$0x1D7E0] =	vst v0  }
0x8d: {  	[tilespmem:$0x1D7F0] =	vst v0  }
0x8e: {  	[tilespmem:$0x1D800] =	vst v0  }
0x8f: {  	[tilespmem:$0x1D810] =	vst v0  }
0x90: {  	[tilespmem:$0x1D820] =	vst v0  }
0x91: {  	[tilespmem:$0x1D830] =	vst v0  }
0x92: {  	[tilespmem:$0x1D840] =	vst v0  }
0x93: {  	[tilespmem:$0x1D850] =	vst v0  }
0x94: {  	[tilespmem:$0x1D860] =	vst v0  }
0x95: {  	[tilespmem:$0x1D870] =	vst v0  }
0x96: {  	[tilespmem:$0x1D880] =	vst v0  }
0x97: {  	[tilespmem:$0x1D890] =	vst v0  }
0x98: {  	[tilespmem:$0x1D8A0] =	vst v0  }
0x99: {  	[tilespmem:$0x1D8B0] =	vst v0  }
0x9a: {  	[tilespmem:$0x1D8C0] =	vst v0  }
0x9b: {  	[tilespmem:$0x1D8D0] =	vst v0  }
0x9c: {  	[tilespmem:$0x1D8E0] =	vst v0  }
0x9d: {  	[tilespmem:$0x1D8F0] =	vst v0  }
0x9e: {  	[tilespmem:$0x1D900] =	vst v0  }
0x9f: {  	[tilespmem:$0x1D910] =	vst v0  }
0xa0: {  	[tilespmem:$0x1D920] =	vst v0  }
0xa1: {  	[tilespmem:$0x1D930] =	vst v0  }
0xa2: {  	[tilespmem:$0x1DE70] =	vst v1  }
0xa3: {  	[tilespmem:$0x1DE80] =	vst v1  }
0xa4: {  	[tilespmem:$0x1DE90] =	vst v1  }
0xa5: {  	[tilespmem:$0x1DEA0] =	vst v1  }
0xa6: {  	[tilespmem:$0x1DEB0] =	vst v1  }
0xa7: {  	[tilespmem:$0x1DEC0] =	vst v1  }
0xa8: {  	[tilespmem:$0x1DED0] =	vst v1  }
0xa9: {  	[tilespmem:$0x1DEE0] =	vst v1  }
0xaa: {  	[spmem:s13] =	stream.linear.scatter [tilespmem:s15], [sflag:$0x3], $0x280, $0x38;
	[tilespmem:$0x1E370] =	vst v63  }
0xab: {  	_ =	swait.ge [sflag:s20], $0x280  }
0xac: {  	[sflag:s20] =	ssyncset.done $0x0  }
0xad: {  	s29 =	rddreg [dreg:$0xb];
	[sflag:s20] =	ssyncadd.s32 $0xFFFFFD80  }
0xae: {  	[spmem:s29] =	stream.linear.scatter [tilespmem:s23], [sflag:$0x3], $0x400, $0x38;
	[tilespmem:$0x1E370] =	vst v63  }
0xaf: {  	_ =	swait.ge [sflag:s20], $0x400  }
0xb0: {  	[sflag:s20] =	ssyncset.done $0x0  }
0xb1: {  	s30 =	rddreg [dreg:$0x11];
	[sflag:s20] =	ssyncadd.s32 $0xFFFFFC00  }
0xb2: {  	[spmem:s30] =	stream.linear.scatter [tilespmem:s23], [sflag:$0x3], $0x400, $0x38;
	[tilespmem:$0x1E370] =	vst v63  }
0xb3: {  	_ =	swait.ge [sflag:s20], $0x400  }
0xb4: {  	[sflag:s20] =	ssyncset.done $0x0  }
0xb5: {  	s3 =	rddreg [dreg:$0x12];
	[sflag:s20] =	ssyncadd.s32 $0xFFFFFC00  }
0xb6: {  	[spmem:s3] =	stream.linear.scatter [tilespmem:s23], [sflag:$0x3], $0x400, $0x38;
	[tilespmem:$0x1E370] =	vst v63  }
0xb7: {  	_ =	swait.ge [sflag:s20], $0x400  }
0xb8: {  	[sflag:s20] =	ssyncset.done $0x0  }
0xb9: {  	s6 =	rddreg [dreg:$0x13];
	[sflag:s20] =	ssyncadd.s32 $0xFFFFFC00  }
0xba: {  	[spmem:s6] =	stream.linear.scatter [tilespmem:s23], [sflag:$0x3], $0x400, $0x38;
	[tilespmem:$0x1E370] =	vst v63  }
0xbb: {  	_ =	swait.ge [sflag:s20], $0x400  }
0xbc: {  	[sflag:s20] =	ssyncset.done $0x0  }
0xbd: {  	s18 =	rddreg [dreg:$0x14];
	[sflag:s20] =	ssyncadd.s32 $0xFFFFFC00  }
0xbe: {  	[spmem:s18] =	stream.linear.scatter [tilespmem:s23], [sflag:$0x3], $0x400, $0x38;
	[tilespmem:$0x1E370] =	vst v63  }
0xbf: {  	_ =	swait.ge [sflag:s20], $0x400  }
0xc0: {  	[sflag:s20] =	ssyncset.done $0x0  }
0xc1: {  	s25 =	rddreg [dreg:$0x15];
	[sflag:s20] =	ssyncadd.s32 $0xFFFFFC00  }
0xc2: {  	[spmem:s25] =	stream.linear.scatter [tilespmem:s23], [sflag:$0x3], $0x400, $0x38;
	[tilespmem:$0x1E370] =	vst v63  }
0xc3: {  	_ =	swait.ge [sflag:s20], $0x400  }
0xc4: {  	[sflag:s20] =	ssyncset.done $0x0  }
0xc5: {  	s29 =	rddreg [dreg:$0x16];
	[sflag:s20] =	ssyncadd.s32 $0xFFFFFC00  }
0xc6: {  	[spmem:s29] =	stream.linear.scatter [tilespmem:s23], [sflag:$0x3], $0x400, $0x38;
	[tilespmem:$0x1E370] =	vst v63  }
0xc7: {  	_ =	swait.ge [sflag:s20], $0x400  }
0xc8: {  	[sflag:s20] =	ssyncset.done $0x0  }
0xc9: {  	s30 =	rddreg [dreg:$0x17];
	[sflag:s20] =	ssyncadd.s32 $0xFFFFFC00  }
0xca: {  	[spmem:s30] =	stream.linear.scatter [tilespmem:s23], [sflag:$0x3], $0x400, $0x38;
	[tilespmem:$0x1E370] =	vst v63  }
0xcb: {  	_ =	swait.ge [sflag:s20], $0x400  }
0xcc: {  	[sflag:s20] =	ssyncset.done $0x0  }
0xcd: {  	s3 =	rddreg [dreg:$0x18];
	[sflag:s20] =	ssyncadd.s32 $0xFFFFFC00  }
0xce: {  	[spmem:s3] =	stream.linear.scatter [tilespmem:s23], [sflag:$0x3], $0x400, $0x38;
	[tilespmem:$0x1E370] =	vst v63  }
0xcf: {  	_ =	swait.ge [sflag:s20], $0x400  }
0xd0: {  	[sflag:s20] =	ssyncset.done $0x0  }
0xd1: {  	s6 =	rddreg [dreg:$0x19];
	[sflag:s20] =	ssyncadd.s32 $0xFFFFFC00  }
0xd2: {  	[spmem:s6] =	stream.linear.scatter [tilespmem:s23], [sflag:$0x3], $0x400, $0x38;
	[tilespmem:$0x1E370] =	vst v63  }
0xd3: {  	_ =	swait.ge [sflag:s20], $0x400  }
0xd4: {  	[sflag:s20] =	ssyncset.done $0x0  }
0xd5: {  	s18 =	rddreg [dreg:$0x1a];
	[sflag:s20] =	ssyncadd.s32 $0xFFFFFC00  }
0xd6: {  	[spmem:s18] =	stream.linear.scatter [tilespmem:s23], [sflag:$0x3], $0x400, $0x38;
	[tilespmem:$0x1E370] =	vst v63  }
0xd7: {  	_ =	swait.ge [sflag:s20], $0x400  }
0xd8: {  	[sflag:s20] =	ssyncset.done $0x0  }
0xd9: {  	s25 =	rddreg [dreg:$0x1b];
	[sflag:s20] =	ssyncadd.s32 $0xFFFFFC00  }
0xda: {  	[spmem:s25] =	stream.linear.scatter [tilespmem:s23], [sflag:$0x3], $0x400, $0x38;
	[tilespmem:$0x1E370] =	vst v63  }
0xdb: {  	_ =	swait.ge [sflag:s20], $0x400  }
0xdc: {  	[sflag:s20] =	ssyncset.done $0x0  }
0xdd: {  	s29 =	rddreg [dreg:$0x1c];
	[sflag:s20] =	ssyncadd.s32 $0xFFFFFC00  }
0xde: {  	[spmem:s29] =	stream.linear.scatter [tilespmem:s23], [sflag:$0x3], $0x400, $0x38;
	[tilespmem:$0x1E370] =	vst v63  }
0xdf: {  	_ =	swait.ge [sflag:s20], $0x400  }
0xe0: {  	[sflag:s20] =	ssyncset.done $0x0  }
0xe1: {  	s30 =	rddreg [dreg:$0x1d];
	[sflag:s20] =	ssyncadd.s32 $0xFFFFFC00  }
0xe2: {  	[spmem:s30] =	stream.linear.scatter [tilespmem:s23], [sflag:$0x3], $0x400, $0x38;
	[tilespmem:$0x1E370] =	vst v63  }
0xe3: {  	_ =	swait.ge [sflag:s20], $0x400  }
0xe4: {  	[sflag:s20] =	ssyncset.done $0x0  }
0xe5: {  	s3 =	rddreg [dreg:$0x1e];
	[sflag:s20] =	ssyncadd.s32 $0xFFFFFC00  }
0xe6: {  	[spmem:s3] =	stream.linear.scatter [tilespmem:s23], [sflag:$0x3], $0x400, $0x38;
	[tilespmem:$0x1E370] =	vst v63  }
0xe7: {  	_ =	swait.ge [sflag:s20], $0x400  }
0xe8: {  	[sflag:s20] =	ssyncset.done $0x0  }
0xe9: {  	s6 =	rddreg [dreg:$0x1f];
	[sflag:s20] =	ssyncadd.s32 $0xFFFFFC00  }
0xea: {  	[spmem:s6] =	stream.linear.scatter [tilespmem:s23], [sflag:$0x3], $0x400, $0x38;
	[tilespmem:$0x1E370] =	vst v63  }
0xeb: {  	_ =	swait.ge [sflag:s20], $0x400  }
0xec: {  	s18 =	sld [smem:$0x7FA]  }
0xed: {  	[sflag:s20] =	ssyncset.done $0x0  }
0xee: {  	[sflag:s20] =	ssyncadd.s32 $0xFFFFFC00  }
0xef: {  	[spmem:s18] =	stream.linear.scatter [tilespmem:s23], [sflag:$0x3], $0x400, $0x38;
	[tilespmem:$0x1E370] =	vst v63  }
0xf0: {  	_ =	swait.ge [sflag:s20], $0x400  }
0xf1: {  	s25 =	sld [smem:$0x7FB]  }
0xf2: {  	[sflag:s20] =	ssyncset.done $0x0  }
0xf3: {  	[sflag:s20] =	ssyncadd.s32 $0xFFFFFC00  }
0xf4: {  	[spmem:s25] =	stream.linear.scatter [tilespmem:s23], [sflag:$0x3], $0x400, $0x38;
	[tilespmem:$0x1E370] =	vst v63  }
0xf5: {  	_ =	swait.ge [sflag:s20], $0x400  }
0xf6: {  	s29 =	sld [smem:$0x7FC]  }
0xf7: {  	[sflag:s20] =	ssyncset.done $0x0  }
0xf8: {  	[sflag:s20] =	ssyncadd.s32 $0xFFFFFC00  }
0xf9: {  	[spmem:s29] =	stream.linear.scatter [tilespmem:s23], [sflag:$0x3], $0x400, $0x38;
	[tilespmem:$0x1E370] =	vst v63  }
0xfa: {  	_ =	swait.ge [sflag:s20], $0x400  }
0xfb: {  	s30 =	sld [smem:$0x7FD]  }
0xfc: {  	[sflag:s20] =	ssyncset.done $0x0  }
0xfd: {  	[sflag:s20] =	ssyncadd.s32 $0xFFFFFC00  }
0xfe: {  	[spmem:s30] =	stream.linear.scatter [tilespmem:s23], [sflag:$0x3], $0x400, $0x38;
	[tilespmem:$0x1E370] =	vst v63  }
0xff: {  	_ =	swait.ge [sflag:s20], $0x400  }
0x100: {  	[sflag:s20] =	ssyncset.done $0x0  }
0x101: {  	[sflag:s20] =	ssyncadd.s32 $0xFFFFFC00  }
0x102: {  	s1 =	simm.s32 $0x0;
	[bflag:$0x0] =	sbarrier.arrive $0xFFFF  }
.LBB2_2:
0x103: {  	p1 =	sne.s32 s1, $0x9E00  }
.Ltmp0:
0x104: {  	_ = 	snop;
	(pc) =	sbr.rel @p1 .LBB2_2-.Ltmp0, $4  }
0x105: {  	_ = 	snop  }
0x106: {  	s3 =	sshra.s32 s1, $0x2  }
0x107: {  	s1 =	sadd.s32 $0x200, s1;
	s3 =	sadd.s32 $0xCAC0, s3  }
0x108: {  	[spmem:s12] =	stream.indirect.scatter.add.f32 [tilespmem:s17], [sflag:$0x2], $0x1, s3, s24, $0xb8;
	[tilespmem:$0x1E370] =	vst v63  }
0x109: {  	_ =	swait.ge [sflag:s26], $0x7D  }
0x10a: {  	s1 =	simm.s32 $0x4F;
	[sflag:s26] =	ssyncset.done $0x0  }
.LBB2_4:
0x10b: {  	p1 =	sne.s32 s1, $0x1;
	s1 =	sadd.s32 $0xFFFFFFFF, s1;
	[sflag:s26] =	ssyncadd.s32 $0xFFFFFF83  }
.Ltmp1:
0x10c: {  	(pc) =	sbr.rel @p1 .LBB2_4-.Ltmp1, $3  }
0x10d: {  	_ =	sdelay $0x1  }
0x10e: {  	_ =	swait.ge [sflag:s26], $0x7D  }
0x10f: {  	[sflag:s26] =	ssyncset.done $0x0  }
0x110: {  	[sflag:s26] =	ssyncadd.s32 $0xFFFFFF83  }
0x111: {  	[bflag:$0x0] =	sbarrier.arrive $0xFFFF  }
0x112: {  	[tilespmem:s15], [sflag:$0x3] =	stream.linear.gather [spmem:s13], $0x280, $0x38;
	[tilespmem:$0x1E370] =	vst v63  }
0x113: {  	_ =	swait.ge [sflag:s20], $0x280  }
0x114: {  	[sflag:s20] =	ssyncset.done $0x0  }
0x115: {  	s1 =	simm.s32 $0x0;
	[sflag:s20] =	ssyncadd.s32 $0xFFFFFD80  }
0x116: {  	v2 =	vld [tilespmem:s1+$0x1D6C0];
	_ =	sdelay $0x4  }
0x117: {  	v2 =	vadd.f32 $1.000000000e+00, v2;
	_ =	sdelay $0x1  }
0x118: {  	v3 =	vshra.s32 v2, $0x1;
	v4 =	vmul.f32 $5.000000000e-01, v2  }
0x119: {  	v3 =	vsub.s32 $0x5F3759DF, v3  }
0x11a: {  	v5 =	vmul.f32 v3, v4;
	_ =	sdelay $0x1  }
0x11b: {  	v5 =	vmul.f32 v3, v5;
	_ =	sdelay $0x1  }
0x11c: {  	v5 =	vsub.f32 $1.500000000e+00, v5;
	_ =	sdelay $0x1  }
0x11d: {  	v3 =	vmul.f32 v3, v5;
	_ =	sdelay $0x1  }
0x11e: {  	v5 =	vmul.f32 v3, v4;
	_ =	sdelay $0x1  }
0x11f: {  	(erf) = vrcp.f32 v2;
	v5 =	vmul.f32 v5, v3;
	_ =	sdelay $0x1  }
0x120: {  	v5 =	vsub.f32 $1.500000000e+00, v5;
	_ =	sdelay $0x1  }
0x121: {  	v3 =	vmul.f32 v5, v3;
	_ =	sdelay $0x1  }
0x122: {  	v4 =	vmul.f32 v3, v4;
	_ =	sdelay $0x1  }
0x123: {  	v4 =	vmul.f32 v4, v3  }
0x124: {  	v5 =	vpop (erf)  }
0x125: {  	v5 =	vmul.f32 $8.999999760e-01, v5;
	v4 =	vsub.f32 $1.500000000e+00, v4;
	_ =	sdelay $0x1  }
0x126: {  	s17 =	simm.s32 $0x0;
	s6 =	simm.s32 $0x40;
	s12 =	simm.s32 $0x80;
	[tilespmem:s1+$0x1D950] =	vst v5;
	v3 =	vmul.f32 v4, v3  }
.LBB2_6:
0x127: {  	p1 =	sne.s32 s12, $0x9C0  }
0x128: {  	s3 =	sshra.s32 s6, $0x2;
	s6 =	smov.u32 s12;
	[tilespmem:s1+$0x1D6C0] =	vst v3;
	v2 =	vmul.f32 v3, v2  }
0x129: {  	v3 =	vld [tilespmem:s3+$0x1D6C0]  }
0x12a: {  	[tilespmem:s1+$0x1DBE0] =	vst v2;
	s1 =	smov.u32 s3;
	_ =	sdelay $0x3  }
0x12b: {  	v2 =	vadd.f32 $1.000000000e+00, v3;
	_ =	sdelay $0x1  }
0x12c: {  	v3 =	vshra.s32 v2, $0x1;
	v4 =	vmul.f32 $5.000000000e-01, v2;
	(erf) = vrcp.f32 v2  }
0x12d: {  	v3 =	vsub.s32 $0x5F3759DF, v3  }
0x12e: {  	v5 =	vmul.f32 v3, v4;
	_ =	sdelay $0x1  }
0x12f: {  	v5 =	vmul.f32 v3, v5;
	_ =	sdelay $0x1  }
0x130: {  	v6 =	vsub.f32 $1.500000000e+00, v5;
	_ =	sdelay $0x1  }
0x131: {  	v3 =	vmul.f32 v3, v6  }
0x132: {  	v5 =	vpop (erf)  }
0x133: {  	v6 =	vmul.f32 v3, v4;
	v5 =	vmul.f32 $8.999999760e-01, v5;
	_ =	sdelay $0x1  }
0x134: {  	v6 =	vmul.f32 v6, v3;
	[tilespmem:s1+$0x1D950] =	vst v5;
	_ =	sdelay $0x1  }
0x135: {  	v5 =	vsub.f32 $1.500000000e+00, v6;
	_ =	sdelay $0x1  }
0x136: {  	v3 =	vmul.f32 v5, v3;
	_ =	sdelay $0x1  }
0x137: {  	v4 =	vmul.f32 v3, v4;
	_ =	sdelay $0x1  }
.Ltmp2:
0x138: {  	v4 =	vmul.f32 v4, v3;
	(pc) =	sbr.rel @p1 .LBB2_6-.Ltmp2, $3  }
0x139: {  	_ = 	snop  }
0x13a: {  	v4 =	vsub.f32 $1.500000000e+00, v4;
	_ =	sdelay $0x1  }
0x13b: {  	s12 =	sadd.s32 $0x40, s12;
	v3 =	vmul.f32 v4, v3  }
0x13c: {  	_ = 	snop  }
0x13d: {  	s3 =	sshra.s32 s6, $0x2;
	[tilespmem:s1+$0x1D6C0] =	vst v3  }
0x13e: {  	v4 =	vld [tilespmem:s3+$0x1D6C0];
	_ =	sdelay $0x4  }
0x13f: {  	v4 =	vadd.f32 $1.000000000e+00, v4;
	_ =	sdelay $0x1  }
0x140: {  	v5 =	vshra.s32 v4, $0x1;
	v6 =	vmul.f32 $5.000000000e-01, v4  }
0x141: {  	v5 =	vsub.s32 $0x5F3759DF, v5  }
0x142: {  	v7 =	vmul.f32 v5, v6;
	_ =	sdelay $0x1  }
0x143: {  	v7 =	vmul.f32 v5, v7;
	_ =	sdelay $0x1  }
0x144: {  	v7 =	vsub.f32 $1.500000000e+00, v7;
	_ =	sdelay $0x1  }
0x145: {  	v5 =	vmul.f32 v5, v7;
	_ =	sdelay $0x1  }
0x146: {  	v7 =	vmul.f32 v5, v6;
	_ =	sdelay $0x1  }
0x147: {  	v7 =	vmul.f32 v7, v5;
	_ =	sdelay $0x1  }
0x148: {  	(erf) = vrcp.f32 v4;
	v7 =	vsub.f32 $1.500000000e+00, v7;
	_ =	sdelay $0x1  }
0x149: {  	v5 =	vmul.f32 v7, v5;
	_ =	sdelay $0x1  }
0x14a: {  	v6 =	vmul.f32 v5, v6;
	_ =	sdelay $0x1  }
0x14b: {  	v6 =	vmul.f32 v6, v5;
	_ =	sdelay $0x1  }
0x14c: {  	v6 =	vsub.f32 $1.500000000e+00, v6  }
0x14d: {  	v2 =	vmul.f32 v3, v2;
	v3 =	vpop (erf)  }
0x14e: {  	v3 =	vmul.f32 $8.999999760e-01, v3;
	v5 =	vmul.f32 v6, v5  }
0x14f: {  	[tilespmem:s1+$0x1DBE0] =	vst v2  }
0x150: {  	[tilespmem:s3+$0x1D950] =	vst v3;
	v2 =	vmul.f32 v5, v4  }
0x151: {  	[tilespmem:s3+$0x1D6C0] =	vst v5  }
0x152: {  	s6 =	simm.s32 $0x186C0;
	s12 =	simm.s32 $0x136C0;
	s1 =	simm.s32 $0x1D6C0;
	[tilespmem:s3+$0x1DBE0] =	vst v2  }
.LBB2_8:
0x153: {  	s3 =	sshll.u32 s17, $0x7  }
0x154: {  	s3 =	sadd.s32 s8, s3  }
0x155: {  	s3 =	sshll.u32 s3, $0x5  }
0x156: {  	s3 =	sadd.s32 s14, s3  }
0x157: {  	s3 =	sshrl.u32 s3, $0x3  }
0x158: {  	s13 =	simm.s32 $0x0;
	s3 =	sadd.s32 s7, s3  }
0x159: {  	[tilespmem:s28], [sflag:$0x3] =	stream.linear.gather [hbm4b:s3+s13], $0x1000, $0x38;
	[tilespmem:$0x1E370] =	vst v63  }
0x15a: {  	_ =	swait.ge [sflag:s20], $0x1000  }
0x15b: {  	[sflag:s20] =	ssyncset.done $0x0  }
0x15c: {  	[sflag:s20] =	ssyncadd.s32 $0xFFFFF000  }
0x15d: {  	s13 =	simm.s32 $0x0;
	v4 =	vld.msk [tilespmem:s1+$0x0 ss:$0x0], $0xffff  }
0x15e: {  	v3 =	vmov s12;
	v2 =	vmov s6;
	s15 =	smov.u32 s1;
	s3 =	simm.s32 $0x80;
	v5 =	vld [tilespmem:s13+$0xF2C0]  }
.LBB2_9:
0x15f: {  	p1 =	sne.s32 s3, $0x3F80;
	v6 =	vld [tilespmem:s13+$0xF2D0];
	_ =	sdelay $0x3  }
0x160: {  	v5 =	vmul.f32 v4, v5  }
0x161: {  	v4 =	vmul.f32 v6, v4  }
0x162: {  	[tilespmem:v3+s13+$0x0 ss:$0x1] =	vst.idx.msk $0xffff, v5;
	v5 =	vmul.f32 $1.000000010e-01, v5  }
.Ltmp3:
0x163: {  	[tilespmem:v3+s13+$0x10 ss:$0x1] =	vst.idx.msk $0xffff, v4;
	v4 =	vmul.f32 $1.000000010e-01, v4;
	(pc) =	sbr.rel @p1 .LBB2_9-.Ltmp3, $4  }
0x164: {  	[tilespmem:v2+s13+$0x0 ss:$0x1] =	vst.idx.msk $0xffff, v5  }
0x165: {  	s15 =	sadd.s32 $0x1, s15;
	[tilespmem:v2+s13+$0x10 ss:$0x1] =	vst.idx.msk $0xffff, v4  }
0x166: {  	s13 =	sshra.s32 s3, $0x2;
	v4 =	vld.msk [tilespmem:s15+$0x0 ss:$0x0], $0xffff  }
0x167: {  	s3 =	sadd.s32 $0x80, s3;
	v5 =	vld [tilespmem:s13+$0xF2C0]  }
0x168: {  	v6 =	vld [tilespmem:s13+$0xF2D0];
	_ =	sdelay $0x2  }
0x169: {  	s17 =	sadd.s32 $0x1, s17  }
0x16a: {  	p1 =	sne.s32 s17, $0x5;
	v5 =	vmul.f32 v4, v5  }
.Ltmp4:
0x16b: {  	v63 =	vmul.f32 v6, v4;
	(pc) =	sbr.rel @p1 .LBB2_8-.Ltmp4, $4  }
0x16c: {  	[tilespmem:v3+s13+$0x0 ss:$0x1] =	vst.idx.msk $0xffff, v5;
	v5 =	vmul.f32 $1.000000010e-01, v5  }
0x16d: {  	[tilespmem:v3+s13+$0x10 ss:$0x1] =	vst.idx.msk $0xffff, v63;
	v3 =	vmul.f32 $1.000000010e-01, v63  }
0x16e: {  	[tilespmem:v2+s13+$0x0 ss:$0x1] =	vst.idx.msk $0xffff, v5  }
0x16f: {  	s1 =	sadd.s32 $0x80, s1;
	s6 =	sadd.s32 $0x1000, s6;
	s12 =	sadd.s32 $0x1000, s12;
	[tilespmem:v2+s13+$0x10 ss:$0x1] =	vst.idx.msk $0xffff, v3  }
0x170: {  	s1 =	rddreg [dreg:$0xc];
	s3 =	simm.s32 $0x136C0  }
0x171: {  	[spmem:s1] =	stream.linear.scatter [tilespmem:s3], [sflag:$0x3], $0x5000, $0x38;
	[tilespmem:$0x1E370] =	vst v63  }
0x172: {  	_ =	swait.ge [sflag:s20], $0x5000  }
0x173: {  	[sflag:s20] =	ssyncset.done $0x0  }
0x174: {  	[sflag:s20] =	ssyncadd.s32 $0xFFFFB000  }
0x175: {  	s17 =	simm.s32 $0x0;
	[bflag:$0x0] =	sbarrier.arrive $0xFFFF  }
.LBB2_12:
0x176: {  	[tilespmem:s28], [sflag:$0x1] =	stream.indirect.gather [spmem:s4], $0x20, s19, s24, $0xb8;
	[tilespmem:$0x1E370] =	vst v63  }
0x177: {  	s1 =	simm.s32 $0xA340  }
0x178: {  	[tilespmem:s22], [sflag:$0x1] =	stream.indirect.gather [spmem:s4], $0x20, s1, s24, $0xb8;
	[tilespmem:$0x1E370] =	vst v63  }
0x179: {  	s25 =	simm.s32 $0xA3C0  }
0x17a: {  	[tilespmem:s31], [sflag:$0x1] =	stream.indirect.gather [spmem:s4], $0x20, s25, s24, $0xb8;
	[tilespmem:$0x1E370] =	vst v63  }
0x17b: {  	_ =	swait.ge [sflag:s0], $0xFA0  }
0x17c: {  	[sflag:s0] =	ssyncset.done $0x0  }
0x17d: {  	[sflag:s0] =	ssyncadd.s32 $0xFFFFF060  }
0x17e: {  	[spmem:s2] =	stream.indirect.scatter.add.f32 [tilespmem:s28], [sflag:$0x2], $0x20, s21, s24, $0xb8;
	[tilespmem:$0x1E370] =	vst v63  }
0x17f: {  	s29 =	simm.s32 $0xA440  }
0x180: {  	[tilespmem:s5], [sflag:$0x1] =	stream.indirect.gather [spmem:s4], $0x20, s29, s24, $0xb8;
	[tilespmem:$0x1E370] =	vst v63  }
0x181: {  	s30 =	simm.s32 $0x1000;
	_ =	swait.ge [sflag:s0], $0xFA0  }
0x182: {  	s6 =	simm.s32 $0x4000;
	s1 =	sand.u32 $0x3000, s30;
	[sflag:s0] =	ssyncset.done $0x0  }
0x183: {  	s3 =	simm.s32 $0xCB40;
	s1 =	sadd.s32 $0xF2C0, s1;
	[sflag:s0] =	ssyncadd.s32 $0xFFFFF060  }
0x184: {  	[spmem:s2] =	stream.indirect.scatter.add.f32 [tilespmem:s1], [sflag:$0x2], $0x20, s3, s24, $0xb8;
	[tilespmem:$0x1E370] =	vst v63  }
0x185: {  	s12 =	sand.u32 $0x3000, s6;
	s6 =	simm.s32 $0xCBC0;
	_ =	swait.ge [sflag:s26], $0xFA0  }
0x186: {  	s13 =	sadd.s32 $0xF2C0, s12;
	s12 =	simm.s32 $0xA540;
	[sflag:s26] =	ssyncset.done $0x0  }
0x187: {  	s1 =	simm.s32 $0xA4C0;
	s3 =	simm.s32 $0x5000;
	[sflag:s26] =	ssyncadd.s32 $0xFFFFF060  }
.LBB2_13:
0x188: {  	[tilespmem:s13], [sflag:$0x1] =	stream.indirect.gather [spmem:s4], $0x20, s1, s24, $0xb8;
	[tilespmem:$0x1E370] =	vst v63  }
0x189: {  	s13 =	smov.u32 s3;
	s1 =	smov.u32 s12  }
0x18a: {  	s15 =	sadd.s32 $0xFFFFD000, s3;
	p1 =	sne.s32 s3, $0x4F000;
	_ =	swait.ge [sflag:s0], $0xFA0  }
0x18b: {  	s3 =	sadd.s32 $0x1000, s3;
	s15 =	sand.u32 $0x3000, s15;
	[sflag:s0] =	ssyncset.done $0x0  }
.Ltmp5:
0x18c: {  	s15 =	sadd.s32 $0xF2C0, s15;
	[sflag:s0] =	ssyncadd.s32 $0xFFFFF060;
	(pc) =	sbr.rel @p1 .LBB2_13-.Ltmp5, $4  }
0x18d: {  	[spmem:s2] =	stream.indirect.scatter.add.f32 [tilespmem:s15], [sflag:$0x2], $0x20, s6, s24, $0xb8;
	[tilespmem:$0x1E370] =	vst v63  }
0x18e: {  	_ =	swait.ge [sflag:s26], $0xFA0  }
0x18f: {  	s13 =	sand.u32 $0x3000, s13;
	s6 =	sadd.s32 $0x80, s6;
	[sflag:s26] =	ssyncset.done $0x0  }
0x190: {  	s12 =	sadd.s32 $0x80, s12;
	s13 =	sadd.s32 $0xF2C0, s13;
	[sflag:s26] =	ssyncadd.s32 $0xFFFFF060  }
0x191: {  	[tilespmem:s13], [sflag:$0x1] =	stream.indirect.gather [spmem:s4], $0x20, s1, s24, $0xb8;
	[tilespmem:$0x1E370] =	vst v63  }
0x192: {  	_ =	swait.ge [sflag:s0], $0xFA0  }
0x193: {  	[sflag:s0] =	ssyncset.done $0x0  }
0x194: {  	[sflag:s0] =	ssyncadd.s32 $0xFFFFF060  }
0x195: {  	[spmem:s2] =	stream.indirect.scatter.add.f32 [tilespmem:s22], [sflag:$0x2], $0x20, s9, s24, $0xb8;
	[tilespmem:$0x1E370] =	vst v63  }
0x196: {  	_ =	swait.ge [sflag:s26], $0xFA0  }
0x197: {  	[sflag:s26] =	ssyncset.done $0x0  }
0x198: {  	[sflag:s26] =	ssyncadd.s32 $0xFFFFF060  }
0x199: {  	_ =	swait.ge [sflag:s0], $0xFA0  }
0x19a: {  	[sflag:s0] =	ssyncset.done $0x0  }
0x19b: {  	[sflag:s0] =	ssyncadd.s32 $0xFFFFF060  }
0x19c: {  	[spmem:s2] =	stream.indirect.scatter.add.f32 [tilespmem:s31], [sflag:$0x2], $0x20, s10, s24, $0xb8;
	[tilespmem:$0x1E370] =	vst v63  }
0x19d: {  	_ =	swait.ge [sflag:s26], $0xFA0  }
0x19e: {  	[sflag:s26] =	ssyncset.done $0x0  }
0x19f: {  	[sflag:s26] =	ssyncadd.s32 $0xFFFFF060  }
0x1a0: {  	_ =	swait.ge [sflag:s0], $0xFA0  }
0x1a1: {  	[sflag:s0] =	ssyncset.done $0x0  }
0x1a2: {  	[sflag:s0] =	ssyncadd.s32 $0xFFFFF060  }
0x1a3: {  	[spmem:s2] =	stream.indirect.scatter.add.f32 [tilespmem:s5], [sflag:$0x2], $0x20, s11, s24, $0xb8;
	[tilespmem:$0x1E370] =	vst v63  }
0x1a4: {  	_ =	swait.ge [sflag:s26], $0xFA0  }
0x1a5: {  	[sflag:s26] =	ssyncset.done $0x0  }
0x1a6: {  	[sflag:s26] =	ssyncadd.s32 $0xFFFFF060  }
0x1a7: {  	_ =	swait.ge [sflag:s26], $0xFA0  }
0x1a8: {  	s15 =	simm.s32 $0x0;
	[sflag:s26] =	ssyncset.done $0x0  }
0x1a9: {  	s30 =	simm.s32 $0x1D950;
	s6 =	simm.s32 $0x186C0;
	[sflag:s26] =	ssyncadd.s32 $0xFFFFF060  }
0x1aa: {  	s13 =	simm.s32 $0x136C0;
	s12 =	simm.s32 $0x0;
	[bflag:$0x0] =	sbarrier.arrive $0xFFFF  }
0x1ab: {  	[tilespmem:s28], [sflag:$0x1] =	stream.linear.gather [spmem:s16], $0x1000, $0x38;
	[tilespmem:$0x1E370] =	vst v63  }
.LBB2_15:
0x1ac: {  	s1 =	sshll.u32 s15, $0x7  }
0x1ad: {  	p1 =	sne.s32 s15, $0x4;
	s3 =	sadd.s32 s8, s1  }
0x1ae: {  	s1 =	sadd.s32 $0x1, s15;
	s18 =	sshll.u32 @p1 s3, $0x7  }
0x1af: {  	_ =	swait.ge [sflag:s0], $0x1000;
	s25 =	sshll.u32 @p1 s1, $0xC;
	s29 =	sshrl.u32 @p1 s18, $0x2  }
0x1b0: {  	[sflag:s0] =	ssyncset.done $0x0;
	s25 =	sand.u32 @p1 $0x3000, s25;
	s29 =	sadd.s32 @p1 s29, s2  }
0x1b1: {  	[sflag:s0] =	ssyncadd.s32 $0xFFFFF000;
	s25 =	sadd.s32 @p1 $0xF2C0, s25;
	s29 =	sadd.s32 @p1 $0x1000, s29  }
0x1b2: {  	[tilespmem:s25], [sflag:$0x1] =	stream.linear.gather @p1 [spmem:s29], $0x1000, $0x38;
	[tilespmem:$0x1E370] =	vst v63  }
0x1b3: {  	s29 =	sshll.u32 @!p1 s3, $0x7;
	s25 =	sshll.u32 s3, $0x5  }
0x1b4: {  	s29 =	smov.u32 @p1 s18;
	s3 =	sadd.s32 s25, s2  }
0x1b5: {  	[spmem:s3] =	stream.linear.scatter [tilespmem:s23], [sflag:$0x2], $0x400, $0x38;
	[tilespmem:$0x1E370] =	vst v63  }
0x1b6: {  	s3 =	sshrl.u32 s29, $0x2  }
0x1b7: {  	s18 =	sand.u32 $0x3, s12;
	s3 =	sadd.s32 s3, s2  }
0x1b8: {  	s18 =	sshll.u32 s18, $0xC;
	s29 =	sadd.s32 $0x400, s3  }
0x1b9: {  	v2 =	vmov s13;
	[spmem:s29] =	stream.linear.scatter [tilespmem:s23], [sflag:$0x2], $0x400, $0x38;
	[tilespmem:$0x1E370] =	vst v63  }
0x1ba: {  	s18 =	sadd.s32 $0xF2D0, s18;
	s29 =	sadd.s32 $0x800, s3  }
0x1bb: {  	v3 =	vmov s18;
	[spmem:s29] =	stream.linear.scatter [tilespmem:s23], [sflag:$0x2], $0x400, $0x38;
	[tilespmem:$0x1E370] =	vst v63  }
0x1bc: {  	s18 =	simm.s32 $0x0;
	s3 =	sadd.s32 $0xC00, s3  }
0x1bd: {  	[spmem:s3] =	stream.linear.scatter [tilespmem:s23], [sflag:$0x2], $0x400, $0x38;
	[tilespmem:$0x1E370] =	vst v63  }
0x1be: {  	v5 =	vld.idx.msk [tilespmem:v2+s18+$0x10 ss:$0x1], $0xffff  }
0x1bf: {  	v4 =	vmov s6;
	v6 =	vld.idx.msk [tilespmem:v2+s18+$0x0 ss:$0x1], $0xffff  }
0x1c0: {  	v7 =	vld.idx.msk [tilespmem:v3+s18+$0xFFFFFFF0 ss:$0x1], $0xffff  }
0x1c1: {  	v8 =	vld.idx.msk [tilespmem:v3+s18+$0x0 ss:$0x1], $0xffff  }
0x1c2: {  	v9 =	vld.msk [tilespmem:s30+$0x0 ss:$0x0], $0xffff;
	_ =	sdelay $0x1  }
0x1c3: {  	v10 =	vld.idx.msk [tilespmem:v4+s18+$0x0 ss:$0x1], $0xffff  }
0x1c4: {  	v11 =	vld.idx.msk [tilespmem:v4+s18+$0x10 ss:$0x1], $0xffff;
	v6 =	vadd.f32 v6, v7  }
0x1c5: {  	v5 =	vadd.f32 v5, v8  }
0x1c6: {  	v6 =	vmul.f32 v6, v9  }
0x1c7: {  	v5 =	vmul.f32 v5, v9  }
0x1c8: {  	v6 =	vadd.f32 v6, v10  }
0x1c9: {  	v5 =	vadd.f32 v5, v11  }
0x1ca: {  	[tilespmem:v2+s18+$0x0 ss:$0x1] =	vst.idx.msk $0xffff, v6  }
0x1cb: {  	s29 =	simm.s32 $0x20;
	[tilespmem:v2+s18+$0x10 ss:$0x1] =	vst.idx.msk $0xffff, v5  }
0x1cc: {  	v5 =	vld.idx.msk [tilespmem:v2+s29+$0x10 ss:$0x1], $0xffff  }
0x1cd: {  	v6 =	vld.idx.msk [tilespmem:v2+s29+$0x0 ss:$0x1], $0xffff  }
0x1ce: {  	s3 =	simm.s32 $0x100;
	s18 =	smov.u32 s30;
	v7 =	vld.idx.msk [tilespmem:v3+s29+$0xFFFFFFF0 ss:$0x1], $0xffff  }
.LBB2_16:
0x1cf: {  	p1 =	sne.s32 s3, $0x3F80;
	v8 =	vld.idx.msk [tilespmem:v3+s29+$0x0 ss:$0x1], $0xffff;
	s18 =	sadd.s32 $0x1, s18  }
0x1d0: {  	v9 =	vld.msk [tilespmem:s18+$0x0 ss:$0x0], $0xffff;
	_ =	sdelay $0x1  }
0x1d1: {  	v10 =	vld.idx.msk [tilespmem:v4+s29+$0x0 ss:$0x1], $0xffff  }
0x1d2: {  	v11 =	vld.idx.msk [tilespmem:v4+s29+$0x10 ss:$0x1], $0xffff  }
0x1d3: {  	v6 =	vadd.f32 v6, v7  }
0x1d4: {  	v5 =	vadd.f32 v5, v8  }
0x1d5: {  	v6 =	vmul.f32 v6, v9  }
0x1d6: {  	v5 =	vmul.f32 v5, v9  }
0x1d7: {  	v6 =	vadd.f32 v6, v10  }
0x1d8: {  	v5 =	vadd.f32 v5, v11  }
.Ltmp6:
0x1d9: {  	[tilespmem:v2+s29+$0x0 ss:$0x1] =	vst.idx.msk $0xffff, v6;
	(pc) =	sbr.rel @p1 .LBB2_16-.Ltmp6, $4  }
0x1da: {  	[tilespmem:v2+s29+$0x10 ss:$0x1] =	vst.idx.msk $0xffff, v5;
	s29 =	sshra.s32 s3, $0x2  }
0x1db: {  	v5 =	vld.idx.msk [tilespmem:v2+s29+$0x10 ss:$0x1], $0xffff  }
0x1dc: {  	v6 =	vld.idx.msk [tilespmem:v2+s29+$0x0 ss:$0x1], $0xffff  }
0x1dd: {  	s3 =	sadd.s32 $0x80, s3;
	v7 =	vld.idx.msk [tilespmem:v3+s29+$0xFFFFFFF0 ss:$0x1], $0xffff  }
0x1de: {  	_ =	sdelay $0x3  }
0x1df: {  	v3 =	vld.idx.msk [tilespmem:v3+s29+$0x0 ss:$0x1], $0xffff;
	s3 =	sadd.s32 $0x1, s18  }
0x1e0: {  	v8 =	vld.msk [tilespmem:s3+$0x0 ss:$0x0], $0xffff;
	_ =	sdelay $0x1  }
0x1e1: {  	v9 =	vld.idx.msk [tilespmem:v4+s29+$0x0 ss:$0x1], $0xffff  }
0x1e2: {  	v62 =	vld.idx.msk [tilespmem:v4+s29+$0x10 ss:$0x1], $0xffff;
	v6 =	vadd.f32 v6, v7  }
0x1e3: {  	v3 =	vadd.f32 v5, v3  }
0x1e4: {  	v63 =	vmul.f32 v6, v8  }
0x1e5: {  	p1 =	sne.s32 s1, $0x5;
	v3 =	vmul.f32 v3, v8  }
.Ltmp7:
0x1e6: {  	v5 =	vadd.f32 v63, v9;
	(pc) =	sbr.rel @p1 .LBB2_15-.Ltmp7, $4  }
0x1e7: {  	s18 =	sshll.u32 s15, $0xC;
	s30 =	sadd.s32 $0x80, s30;
	s12 =	sadd.s32 $0x1, s12;
	v3 =	vadd.f32 v3, v62  }
0x1e8: {  	s6 =	sadd.s32 $0x1000, s6;
	s13 =	sadd.s32 $0x1000, s13;
	s3 =	sand.u32 $0x3FFFF000, s18;
	[tilespmem:v2+s29+$0x0 ss:$0x1] =	vst.idx.msk $0xffff, v5  }
0x1e9: {  	s15 =	smov.u32 s1;
	s3 =	sadd.s32 $0x136C0, s3;
	[tilespmem:v2+s29+$0x10 ss:$0x1] =	vst.idx.msk $0xffff, v3;
	s29 =	sadd.s32 s25, s4  }
0x1ea: {  	[spmem:s29] =	stream.linear.scatter [tilespmem:s3], [sflag:$0x2], $0x1000, $0x38;
	[tilespmem:$0x1E370] =	vst v63  }
0x1eb: {  	_ =	swait.ge [sflag:s26], $0x400  }
0x1ec: {  	[sflag:s26] =	ssyncset.done $0x0  }
0x1ed: {  	[sflag:s26] =	ssyncadd.s32 $0xFFFFFC00  }
0x1ee: {  	_ =	swait.ge [sflag:s26], $0x400  }
0x1ef: {  	[sflag:s26] =	ssyncset.done $0x0  }
0x1f0: {  	[sflag:s26] =	ssyncadd.s32 $0xFFFFFC00  }
0x1f1: {  	_ =	swait.ge [sflag:s26], $0x400  }
0x1f2: {  	[sflag:s26] =	ssyncset.done $0x0  }
0x1f3: {  	[sflag:s26] =	ssyncadd.s32 $0xFFFFFC00  }
0x1f4: {  	_ =	swait.ge [sflag:s26], $0x400  }
0x1f5: {  	[sflag:s26] =	ssyncset.done $0x0  }
0x1f6: {  	[sflag:s26] =	ssyncadd.s32 $0xFFFFFC00  }
0x1f7: {  	_ =	swait.ge [sflag:s26], $0x1000  }
0x1f8: {  	[sflag:s26] =	ssyncset.done $0x0  }
0x1f9: {  	[sflag:s26] =	ssyncadd.s32 $0xFFFFF000  }
0x1fa: {  	_ =	swait.ge [sflag:s26], $0x400  }
0x1fb: {  	[sflag:s26] =	ssyncset.done $0x0  }
0x1fc: {  	[sflag:s26] =	ssyncadd.s32 $0xFFFFFC00  }
0x1fd: {  	_ =	swait.ge [sflag:s26], $0x400  }
0x1fe: {  	[sflag:s26] =	ssyncset.done $0x0  }
0x1ff: {  	[sflag:s26] =	ssyncadd.s32 $0xFFFFFC00  }
0x200: {  	_ =	swait.ge [sflag:s26], $0x400  }
0x201: {  	[sflag:s26] =	ssyncset.done $0x0  }
0x202: {  	[sflag:s26] =	ssyncadd.s32 $0xFFFFFC00  }
0x203: {  	_ =	swait.ge [sflag:s26], $0x400  }
0x204: {  	[sflag:s26] =	ssyncset.done $0x0  }
0x205: {  	[sflag:s26] =	ssyncadd.s32 $0xFFFFFC00  }
0x206: {  	_ =	swait.ge [sflag:s26], $0x1000  }
0x207: {  	[sflag:s26] =	ssyncset.done $0x0  }
0x208: {  	[sflag:s26] =	ssyncadd.s32 $0xFFFFF000  }
0x209: {  	_ =	swait.ge [sflag:s26], $0x400  }
0x20a: {  	[sflag:s26] =	ssyncset.done $0x0  }
0x20b: {  	[sflag:s26] =	ssyncadd.s32 $0xFFFFFC00  }
0x20c: {  	_ =	swait.ge [sflag:s26], $0x400  }
0x20d: {  	[sflag:s26] =	ssyncset.done $0x0  }
0x20e: {  	[sflag:s26] =	ssyncadd.s32 $0xFFFFFC00  }
0x20f: {  	_ =	swait.ge [sflag:s26], $0x400  }
0x210: {  	[sflag:s26] =	ssyncset.done $0x0  }
0x211: {  	[sflag:s26] =	ssyncadd.s32 $0xFFFFFC00  }
0x212: {  	_ =	swait.ge [sflag:s26], $0x400  }
0x213: {  	[sflag:s26] =	ssyncset.done $0x0  }
0x214: {  	[sflag:s26] =	ssyncadd.s32 $0xFFFFFC00  }
0x215: {  	_ =	swait.ge [sflag:s26], $0x1000  }
0x216: {  	[sflag:s26] =	ssyncset.done $0x0  }
0x217: {  	[sflag:s26] =	ssyncadd.s32 $0xFFFFF000  }
0x218: {  	_ =	swait.ge [sflag:s26], $0x400  }
0x219: {  	[sflag:s26] =	ssyncset.done $0x0  }
0x21a: {  	[sflag:s26] =	ssyncadd.s32 $0xFFFFFC00  }
0x21b: {  	_ =	swait.ge [sflag:s26], $0x400  }
0x21c: {  	[sflag:s26] =	ssyncset.done $0x0  }
0x21d: {  	[sflag:s26] =	ssyncadd.s32 $0xFFFFFC00  }
0x21e: {  	_ =	swait.ge [sflag:s26], $0x400  }
0x21f: {  	[sflag:s26] =	ssyncset.done $0x0  }
0x220: {  	[sflag:s26] =	ssyncadd.s32 $0xFFFFFC00  }
0x221: {  	_ =	swait.ge [sflag:s26], $0x400  }
0x222: {  	[sflag:s26] =	ssyncset.done $0x0  }
0x223: {  	[sflag:s26] =	ssyncadd.s32 $0xFFFFFC00  }
0x224: {  	_ =	swait.ge [sflag:s26], $0x1000  }
0x225: {  	[sflag:s26] =	ssyncset.done $0x0  }
0x226: {  	[sflag:s26] =	ssyncadd.s32 $0xFFFFF000  }
0x227: {  	_ =	swait.ge [sflag:s26], $0x400  }
0x228: {  	[sflag:s26] =	ssyncset.done $0x0  }
0x229: {  	[sflag:s26] =	ssyncadd.s32 $0xFFFFFC00  }
0x22a: {  	_ =	swait.ge [sflag:s26], $0x400  }
0x22b: {  	[sflag:s26] =	ssyncset.done $0x0  }
0x22c: {  	[sflag:s26] =	ssyncadd.s32 $0xFFFFFC00  }
0x22d: {  	_ =	swait.ge [sflag:s26], $0x400  }
0x22e: {  	[sflag:s26] =	ssyncset.done $0x0  }
0x22f: {  	[sflag:s26] =	ssyncadd.s32 $0xFFFFFC00  }
0x230: {  	_ =	swait.ge [sflag:s26], $0x400  }
0x231: {  	s17 =	sadd.s32 $0x1, s17;
	[sflag:s26] =	ssyncset.done $0x0  }
0x232: {  	p1 =	sne.s32 s17, $0xA;
	[sflag:s26] =	ssyncadd.s32 $0xFFFFFC00  }
.Ltmp8:
0x233: {  	_ =	swait.ge [sflag:s26], $0x1000;
	(pc) =	sbr.rel @p1 .LBB2_12-.Ltmp8, $3  }
0x234: {  	[sflag:s26] =	ssyncset.done $0x0  }
0x235: {  	[sflag:s26] =	ssyncadd.s32 $0xFFFFF000  }
0x236: {  	[bflag:$0x0] =	sbarrier.arrive $0xFFFF;
	_ =	sdelay $0x1  }
0x237: {  	s1 =	simm.s32 $0x0  }
0x238: {  	s3 =	simm.s32 $0x136D0;
	v4 =	vld.msk [tilespmem:s1+$0x1DBE0 ss:$0x0], $0xffff  }
0x239: {  	v2 =	vld [tilespmem:s3+$0x0]  }
0x23a: {  	v5 =	vld [tilespmem:s3+$0xFFFFFFF0];
	_ =	sdelay $0x2  }
0x23b: {  	s30 =	simm.s32 $0x1  }
0x23c: {  	v3 =	vld.msk [tilespmem:s30+$0x1DBE0 ss:$0x0], $0xffff;
	s1 =	simm.s32 $0x136F0;
	v6 =	vmul.f32 v2, v4  }
0x23d: {  	v7 =	vld [tilespmem:s1+$0x0];
	v5 =	vmul.f32 v4, v5  }
0x23e: {  	v8 =	vld [tilespmem:s1+$0xFFFFFFF0];
	v2 =	vimm.f32 $0.0e+00;
	v10 =	vmul.f32 v6, v6  }
0x23f: {  	v4 =	vadd.f32 v6, v2;
	v9 =	vmul.f32 v5, v5  }
0x240: {  	s3 =	simm.s32 $0x8;
	v6 =	vadd.f32 v5, v2;
	v5 =	vadd.f32 v10, v2  }
.LBB2_20:
0x241: {  	s6 =	sshra.s32 s3, $0x2;
	p1 =	sne.s32 s3, $0x9FC;
	s3 =	sadd.s32 $0x4, s3;
	v2 =	vadd.f32 v9, v2  }
.Ltmp9:
0x242: {  	s1 =	sadd.s32 $0x20, s1;
	v10 =	vmov v3;
	v9 =	vmul.f32 v7, v3;
	v3 =	vld.msk [tilespmem:s6+$0x1DBE0 ss:$0x0], $0xffff;
	(pc) =	sbr.rel @p1 .LBB2_20-.Ltmp9, $4  }
0x243: {  	v7 =	vld [tilespmem:s1+$0x0];
	v10 =	vmul.f32 v10, v8  }
0x244: {  	v8 =	vld [tilespmem:s1+$0xFFFFFFF0];
	v4 =	vadd.f32 v9, v4;
	v11 =	vmul.f32 v9, v9  }
0x245: {  	v6 =	vadd.f32 v10, v6;
	v9 =	vmul.f32 v10, v10  }
0x246: {  	v5 =	vadd.f32 v11, v5  }
0x247: {  	_ =	sdelay $0x1  }
0x248: {  	v8 =	vmul.f32 v3, v8  }
0x249: {  	v3 =	vmul.f32 v7, v3  }
0x24a: {  	v2 =	vadd.f32 v9, v2;
	v6 =	vadd.f32 v8, v6;
	v7 =	vmul.f32 v8, v8  }
0x24b: {  	v4 =	vadd.f32 v3, v4;
	v3 =	vmul.f32 v3, v3  }
0x24c: {  	v2 =	vadd.f32 v7, v2;
	[tilespmem:$0x1DEF0] =	vst v6  }
0x24d: {  	v3 =	vadd.f32 v3, v5;
	[tilespmem:$0x1DF00] =	vst v4  }
0x24e: {  	[tilespmem:$0x1DF10] =	vst v2  }
0x24f: {  	s1 =	rddreg [dreg:$0xd];
	s3 =	simm.s32 $0x1DEF0;
	[tilespmem:$0x1DF20] =	vst v3  }
0x250: {  	[spmem:s1] =	stream.linear.scatter [tilespmem:s3], [sflag:$0x3], $0x40, $0x38;
	[tilespmem:$0x1E370] =	vst v63  }
0x251: {  	_ =	swait.ge [sflag:s20], $0x40  }
0x252: {  	[sflag:s20] =	ssyncset.done $0x0  }
0x253: {  	[sflag:s20] =	ssyncadd.s32 $0xFFFFFFC0  }
0x254: {  	[bflag:$0x0] =	sbarrier.arrive $0xFFFF  }
0x255: {  	s29 =	simm.s32 $0x1DF30;
	s25 =	rddreg [dreg:$0x5]  }
0x256: {  	[tilespmem:s29], [sflag:$0x3] =	stream.linear.gather [spmem:s25], $0x400, $0x38;
	[tilespmem:$0x1E370] =	vst v63  }
0x257: {  	_ =	swait.ge [sflag:s20], $0x400  }
0x258: {  	[sflag:s20] =	ssyncset.done $0x0  }
0x259: {  	s30 =	simm.s32 $0x0;
	[sflag:s20] =	ssyncadd.s32 $0xFFFFFC00  }
0x25a: {  	v3 =	vld [tilespmem:s30+$0x1DF60]  }
0x25b: {  	v4 =	vld [tilespmem:s30+$0x1DF30]  }
0x25c: {  	v9 =	vimm.f32 $0.0e+00;
	s15 =	simm.s32 $0x1D6C0;
	v5 =	vld [tilespmem:s30+$0x1DF40]  }
0x25d: {  	s17 =	simm.s32 $0x1DE70;
	v8 =	vimm.f32 $0.0e+00;
	v7 =	vimm.f32 $0.0e+00;
	v2 =	vimm.f32 $0.0e+00;
	s1 =	simm.s32 $0x100;
	s13 =	rddreg [dreg:$0xa];
	v6 =	vld [tilespmem:s30+$0x1DF50]  }
.LBB2_22:
0x25e: {  	p1 =	sne.s32 s1, $0xF00  }
.Ltmp10:
0x25f: {  	s3 =	sshra.s32 s1, $0x2;
	s1 =	sadd.s32 $0x100, s1;
	v2 =	vadd.f32 v3, v2;
	(pc) =	sbr.rel @p1 .LBB2_22-.Ltmp10, $4  }
0x260: {  	v3 =	vld [tilespmem:s3+$0x1DF60];
	v7 =	vadd.f32 v4, v7  }
0x261: {  	v4 =	vld [tilespmem:s3+$0x1DF30];
	v8 =	vadd.f32 v5, v8  }
0x262: {  	v5 =	vld [tilespmem:s3+$0x1DF40];
	v9 =	vadd.f32 v6, v9  }
0x263: {  	v6 =	vld [tilespmem:s3+$0x1DF50]  }
0x264: {  	_ =	sdelay $0x1  }
0x265: {  	v4 =	vadd.f32 v4, v7  }
0x266: {  	v5 =	vadd.f32 v5, v8  }
0x267: {  	v6 =	vadd.f32 v6, v9;
	v4 =	vmul.f32 $9.999999740e-05, v4  }
0x268: {  	v2 =	vadd.f32 v3, v2;
	v5 =	vmul.f32 $9.999999740e-05, v5  }
0x269: {  	v3 =	vmul.f32 $9.999999740e-05, v6;
	v6 =	vmul.f32 v4, v4  }
0x26a: {  	v2 =	vmul.f32 $9.999999740e-05, v2;
	v7 =	vmul.f32 v5, v5  }
0x26b: {  	v3 =	vsub.f32 v3, v6  }
0x26c: {  	v2 =	vsub.f32 v2, v7  }
0x26d: {  	v3 =	vadd.f32 $9.999999740e-06, v3  }
0x26e: {  	v2 =	vadd.f32 $9.999999740e-06, v2  }
0x26f: {  	v6 =	vshra.s32 v3, $0x1  }
0x270: {  	v3 =	vmul.f32 $5.000000000e-01, v3;
	v7 =	vshra.s32 v2, $0x1;
	v2 =	vmul.f32 $5.000000000e-01, v2  }
0x271: {  	v6 =	vsub.s32 $0x5F3759DF, v6;
	v7 =	vsub.s32 $0x5F3759DF, v7  }
0x272: {  	v8 =	vmul.f32 v6, v3;
	v62 =	vmul.f32 v7, v2;
	_ =	sdelay $0x1  }
0x273: {  	v8 =	vmul.f32 v6, v8;
	v9 =	vmul.f32 v7, v62;
	_ =	sdelay $0x1  }
0x274: {  	v8 =	vsub.f32 $1.500000000e+00, v8;
	v9 =	vsub.f32 $1.500000000e+00, v9;
	_ =	sdelay $0x1  }
0x275: {  	v6 =	vmul.f32 v6, v8;
	v7 =	vmul.f32 v7, v9;
	_ =	sdelay $0x1  }
0x276: {  	v8 =	vmul.f32 v6, v3;
	v9 =	vmul.f32 v7, v2;
	_ =	sdelay $0x1  }
0x277: {  	v8 =	vmul.f32 v8, v6;
	v9 =	vmul.f32 v9, v7;
	_ =	sdelay $0x1  }
0x278: {  	v8 =	vsub.f32 $1.500000000e+00, v8;
	v9 =	vsub.f32 $1.500000000e+00, v9;
	_ =	sdelay $0x1  }
0x279: {  	v6 =	vmul.f32 v8, v6;
	v7 =	vmul.f32 v9, v7;
	_ =	sdelay $0x1  }
0x27a: {  	v3 =	vmul.f32 v6, v3;
	v2 =	vmul.f32 v7, v2;
	_ =	sdelay $0x1  }
0x27b: {  	v63 =	vld [tilespmem:$0x1E340];
	v3 =	vmul.f32 v3, v6;
	v2 =	vmul.f32 v2, v7  }
0x27c: {  	v8 =	vld [tilespmem:$0x1E330]  }
0x27d: {  	v3 =	vsub.f32 $1.500000000e+00, v3;
	v2 =	vsub.f32 $1.500000000e+00, v2;
	_ =	sdelay $0x1  }
0x27e: {  	v10 =	vld [tilespmem:$0x1E360];
	v3 =	vmul.f32 v3, v6;
	v6 =	vmul.f32 v2, v7  }
0x27f: {  	v7 =	vld [tilespmem:$0x1E350]  }
0x280: {  	v2 =	vmul.f32 v8, v3;
	v3 =	vmul.f32 v63, v6;
	_ =	sdelay $0x1  }
0x281: {  	v4 =	vmul.f32 v2, v4;
	v5 =	vmul.f32 v3, v5  }
0x282: {  	s6 =	simm.s32 $0x136D0  }
0x283: {  	s12 =	simm.s32 $0x0;
	s3 =	simm.s32 $0x4;
	s1 =	simm.s32 $0x136D0;
	v6 =	vld [tilespmem:s6+$0xFFFFFFF0];
	v4 =	vsub.f32 v7, v4;
	v5 =	vsub.f32 v10, v5  }
.LBB2_24:
0x284: {  	p1 =	sne.s32 s3, $0x9FC;
	v7 =	vld.msk [tilespmem:s12+$0x1DBE0 ss:$0x0], $0xffff  }
0x285: {  	v8 =	vld [tilespmem:s6+$0x0];
	_ =	sdelay $0x4  }
0x286: {  	v6 =	vmul.f32 v7, v6;
	v7 =	vmul.f32 v8, v7;
	_ =	sdelay $0x1  }
0x287: {  	v6 =	vmul.f32 v6, v2;
	v7 =	vmul.f32 v7, v3  }
.Ltmp11:
0x288: {  	(pc) =	sbr.rel @p1 .LBB2_24-.Ltmp11, $3  }
0x289: {  	v6 =	vadd.f32 v6, v4;
	v7 =	vadd.f32 v7, v5;
	_ =	sdelay $0x1  }
0x28a: {  	s6 =	sadd.s32 $0x20, s6;
	[tilespmem:s1+$0xFFFFFFF0] =	vst v6  }
0x28b: {  	s12 =	sshra.s32 s3, $0x2;
	s3 =	sadd.s32 $0x4, s3;
	v6 =	vld [tilespmem:s6+$0xFFFFFFF0];
	[tilespmem:s1+$0x0] =	vst v7;
	s1 =	smov.u32 s6  }
0x28c: {  	v7 =	vld.msk [tilespmem:s12+$0x1DBE0 ss:$0x0], $0xffff  }
0x28d: {  	v8 =	vld [tilespmem:s6+$0x0];
	_ =	sdelay $0x3  }
0x28e: {  	v6 =	vmul.f32 v7, v6  }
0x28f: {  	v7 =	vmul.f32 v8, v7  }
0x290: {  	v2 =	vmul.f32 v6, v2  }
0x291: {  	v3 =	vmul.f32 v7, v3  }
0x292: {  	v2 =	vadd.f32 v2, v4  }
0x293: {  	v3 =	vadd.f32 v3, v5  }
0x294: {  	s3 =	simm.s32 @p0 $0x40;
	[tilespmem:s1+$0xFFFFFFF0] =	vst v2  }
0x295: {  	s6 =	simm.s32 @p0 $0x136C0;
	s12 =	rddreg [dreg:$0xf];
	[tilespmem:s1+$0x0] =	vst v3;
	s1 =	simm.s32 @p0 $0x20  }
0x296: {  	[hbm4b:s12+s1] =	stream.strided.scatter @p0 [tilespmem:s6], [sflag:$0x3], $0x3200, s3, s1, $0x38;
	[tilespmem:$0x1E370] =	vst v63  }
0x297: {  	s1 =	simm.s32 @p0 $0x3  }
0x298: {  	_ =	swait.ge @p0 [sflag:s1], $0x3200  }
0x299: {  	s3 =	simm.s32 @!p0 $0x40;
	s6 =	simm.s32 @!p0 $0x136C0;
	[sflag:s1] =	ssyncset.done @p0 $0x0  }
0x29a: {  	s12 =	rddreg [dreg:$0xe];
	[sflag:s1] =	ssyncadd.s32 @p0 $0xFFFFCE00;
	s1 =	simm.s32 @!p0 $0x20  }
0x29b: {  	[hbm4b:s12+s1] =	stream.strided.scatter @!p0 [tilespmem:s6], [sflag:$0x3], $0x5000, s3, s1, $0x38;
	[tilespmem:$0x1E370] =	vst v63  }
0x29c: {  	s1 =	simm.s32 @!p0 $0x3  }
0x29d: {  	_ =	swait.ge @!p0 [sflag:s1], $0x5000  }
0x29e: {  	s29 =	sld [smem:$0x7F9];
	_ =	sdelay $0x2  }
0x29f: {  	s30 =	rddreg [dreg:$0x10];
	s6 =	sadd.s32 $0x1, s29  }
0x2a0: {  	p1 =	sne.s32 s6, s30  }
.Ltmp12:
0x2a1: {  	_ = 	snop;
	(pc) =	sbr.rel @p1 .LBB2_1-.Ltmp12, $4  }
0x2a2: {  	_ = 	snop  }
0x2a3: {  	[sflag:s1] =	ssyncset.done @!p0 $0x0  }
0x2a4: {  	[sflag:s1] =	ssyncadd.s32 @!p0 $0xFFFFB000  }
0x2a5: {  	s12 =	rddreg [dreg:$0x2]  }
0x2a6: {  	_ =	sfence.sel $0x180000  }
0x2a7: {  	[bflag:$0x0] =	sbarrier.arrive $0xFFFF  }
0x2a8: {  	_ =	strace $0x90000047  }
0x2a9: {  	s0 =	stileid.u32;
	[bflag:$0x2] =	sbarrier.arrive $0xFFFF  }
0x2aa: {  	p0 =	sne.s32 s0, $0x0;
	s0 =	rddreg [dreg:$0x6]  }
0x2ab: {  	s0 =	sadd.s32 @!p0 $0x100000, s0  }
0x2ac: {  	[sflag:s0] =	ssyncadd.tile.s32 @!p0 $0x1;
	_ =	shalt  }
.Lfunc_end2:
_tile_overlayer_lowered:
.L_overlay_start_2:
0x2ad: {  	(tag) =	ssettag $0x2  }
0x2ae: {  	s0 =	rddreg [dreg:$0x0];
	s2 =	stileid.u32  }
0x2af: {  	s1 =	rddreg [dreg:$0x1];
	p0 =	sne.s32 s2, $0x0  }
0x2b0: {  	s3 =	rddreg [dreg:$0x2];
	[bflag:$0x3] =	sbarrier.arrive $0xFFFF;
	s2 =	simm.s32 @!p0 $0x1C03  }
0x2b1: {  	[timem:s3], [sflag:s2] =	dma.local @!p0 [hbm:s0], s1  }
0x2b2: {  	s0 =	simm.s32 @!p0 $0x3  }
0x2b3: {  	_ =	swait.ge @!p0 [sflag:s0], s1  }
0x2b4: {  	s1 =	ssub.s32 @!p0 $0x0, s1;
	[sflag:s0] =	ssyncset.done @!p0 $0x0  }
0x2b5: {  	[sflag:s0] =	ssyncadd.s32 @!p0 s1  }
0x2b6: {  	[bflag:$0x3] =	sbarrier.arrive $0xFFFF  }
0x2b7: {  	_ =	shalt  }

</sc_bundles>
